<compile_context>
chip_gen: v7x
topology: tpu7x:2x2x1
jax: 0.10.2.dev20260603
libtpu: 0.0.44.dev20260713+nightly
codegen_flags: <defaults>
</compile_context>

<pallas_src>
import functools

import jax
import jax.numpy as jnp
from jax import lax
from jax.experimental import pallas as pl
from jax.experimental.pallas import tpu as pltpu
from jax.experimental.pallas import tpu_sc as plsc

_E = 16
_CAP = 1024
_L = 128
_LO_BITS = 0x2F03F0FF
_HI_BITS = 0x3F800000


def _probs_body(h_ref, wt_ref, bt_ref):
    x = h_ref[...]
    wt = wt_ref[...]
    logits = lax.dot_general(x, wt, (((1,), (1,)), ((), ())),
                             preferred_element_type=jnp.float32)
    logits = jnp.clip(logits, -10.0, 10.0)
    m = jnp.max(logits, axis=-1, keepdims=True)
    e = jnp.exp(logits - m)
    p = e / jnp.sum(e, axis=-1, keepdims=True)
    bt_ref[...] = lax.bitcast_convert_type(jnp.transpose(p), jnp.int32)


def _sc_select_body(bt_hbm, out_hbm, bits_v, hist_v, stage_v):
    wid = lax.axis_index("s") * 2 + lax.axis_index("c")

    @pl.when(wid < _E)
    def _():
        n = bits_v.shape[0]
        pltpu.sync_copy(bt_hbm.at[wid], bits_v)

        ones = jnp.ones((16,), jnp.int32)
        zeros = jnp.zeros((16,), jnp.int32)
        path = jnp.zeros((16,), jnp.int32)
        rank = jnp.full((16,), _CAP, jnp.int32)

        for shift in (25, 20, 15, 10, 5, 0):
            for c in range(16):
                hist_v[pl.ds(c * 16, 16)] = zeros

            @plsc.parallel_loop(0, n // 16, 1, unroll=8)
            def build(i, shift=shift, path=path):
                v = bits_v[pl.ds(i * 16, 16)]
                q = v - _LO_BITS
                m = (q >> (shift + 5)) == path
                d = ((q >> shift) & 31) + (i & 7) * 32
                plsc.addupdate_scatter(hist_v, [d], ones, mask=m)

            v0 = hist_v[pl.ds(0, 16)]
            v1 = hist_v[pl.ds(16, 16)]
            for c in range(1, 8):
                v0 = v0 + hist_v[pl.ds(c * 32, 16)]
                v1 = v1 + hist_v[pl.ds(c * 32 + 16, 16)]
            t1 = jnp.sum(v1)
            sfx0 = lax.rev(plsc.cumsum(lax.rev(v0, (0,))), (0,)) + t1
            sfx1 = lax.rev(plsc.cumsum(lax.rev(v1, (0,))), (0,))
            m0 = sfx0 >= rank
            m1 = sfx1 >= rank
            pc = (plsc.all_reduce_population_count(m0) +
                  plsc.all_reduce_population_count(m1))
            bstar = pc - 1
            above = (jnp.sum(jnp.where(m0, 0, v0)) +
                     jnp.sum(jnp.where(m1, 0, v1)))
            rank = rank - above
            path = path * 32 + bstar

        stage_v[pl.ds(0, 16)] = path + _LO_BITS
        stage_v[pl.ds(16, 16)] = rank
        pltpu.sync_copy(stage_v.at[pl.ds(0, 16)],
                        out_hbm.at[pl.ds(wid * 16, 16)])
        pltpu.sync_copy(stage_v.at[pl.ds(16, 16)],
                        out_hbm.at[pl.ds(256 + wid * 16, 16)])


def _finalize_body(btf_ref, btb_ref, sel_ref, w_ref, m_ref,
                   tcol_ref, icut_ref):
    i = pl.program_id(0)
    nblk = btb_ref.shape[1]
    n = btf_ref.shape[1]
    capf = float(_CAP)

    @pl.when(i == 0)
    def _():
        ei = lax.broadcasted_iota(jnp.int32, (_E, _E), 0)
        ej = lax.broadcasted_iota(jnp.int32, (_E, _E), 1)
        eye = ei == ej
        sel = sel_ref[...]
        tcol = jnp.sum(jnp.where(eye, sel[:_E, :], 0), axis=1, keepdims=True)
        tcol_ref[...] = tcol
        icut_ref[...] = jnp.full((_E, 1), n - 1, jnp.int32)

        bits = btf_ref[...]
        cge = jnp.sum((bits >= tcol).astype(jnp.float32), axis=1,
                      keepdims=True)
        has_ties = jnp.any(cge > capf)

        @pl.when(has_ties)
        def _():
            needcol = jnp.sum(jnp.where(eye, sel[_E:, :], 0), axis=1,
                              keepdims=True).astype(jnp.float32)
            idx = lax.broadcasted_iota(jnp.int32, (_E, n), 1)

            def idx_body(_, carry):
                lo, hi = carry
                mid = (lo + hi) >> 1
                cnt = jnp.sum(((btf_ref[...] == tcol) &
                               (idx <= mid)).astype(jnp.float32), axis=1,
                              keepdims=True)
                ok = cnt >= needcol
                return jnp.where(ok, lo, mid + 1), jnp.where(ok, mid, hi)

            ilo0 = jnp.zeros((_E, 1), jnp.int32)
            ihi0 = jnp.full((_E, 1), n - 1, jnp.int32)
            res, _ = lax.fori_loop(0, 13, idx_body, (ilo0, ihi0))
            icut_ref[...] = res

    tcol = tcol_ref[...]
    icut = icut_ref[...]
    bits = btb_ref[...]
    p = lax.bitcast_convert_type(bits, jnp.float32)
    idx = i * nblk + lax.broadcasted_iota(jnp.int32, (_E, nblk), 1)
    mask = (bits > tcol) | ((bits == tcol) & (idx <= icut))
    maskf = mask.astype(jnp.float32)
    wun = maskf * p
    denom = jnp.sum(wun, axis=0, keepdims=True) + 1e-10
    w_ref[...] = jnp.transpose(wun / denom).reshape(w_ref.shape)
    m_ref[...] = jnp.transpose(maskf).reshape(m_ref.shape)


def kernel(hidden_states, gate_weight):
    b, s, d = hidden_states.shape
    n = b * s
    h = hidden_states.reshape(n, d)
    wt = gate_weight

    tok_blk = 512
    bits_t = pl.pallas_call(
        _probs_body,
        grid=(n // tok_blk,),
        in_specs=[
            pl.BlockSpec((tok_blk, d), lambda i: (i, 0)),
            pl.BlockSpec((_E, d), lambda i: (0, 0)),
        ],
        out_specs=pl.BlockSpec((_E, tok_blk), lambda i: (0, i)),
        out_shape=jax.ShapeDtypeStruct((_E, n), jnp.int32),
    )(h, wt)

    mesh = plsc.VectorSubcoreMesh(core_axis_name="c", subcore_axis_name="s")
    sc_select = functools.partial(
        pl.kernel,
        mesh=mesh,
        out_type=jax.ShapeDtypeStruct((2 * _E * 16,), jnp.int32),
        scratch_types=[
            pltpu.VMEM((n,), jnp.int32),
            pltpu.VMEM((256,), jnp.int32),
            pltpu.VMEM((32,), jnp.int32),
        ],
        compiler_params=pltpu.CompilerParams(needs_layout_passes=False),
    )(_sc_select_body)
    selvec = sc_select(bits_t)
    selmat = selvec.reshape(2 * _E, 16)

    fin_blk = 512
    w, m = pl.pallas_call(
        _finalize_body,
        grid=(n // fin_blk,),
        in_specs=[
            pl.BlockSpec((_E, n), lambda i: (0, 0)),
            pl.BlockSpec((_E, fin_blk), lambda i: (0, i)),
            pl.BlockSpec((2 * _E, _E), lambda i: (0, 0)),
        ],
        out_specs=[
            pl.BlockSpec((1, fin_blk, _E), lambda i: (i // 4, i % 4, 0)),
            pl.BlockSpec((1, fin_blk, _E), lambda i: (i // 4, i % 4, 0)),
        ],
        out_shape=[
            jax.ShapeDtypeStruct((b, s, _E), jnp.float32),
            jax.ShapeDtypeStruct((b, s, _E), jnp.float32),
        ],
        scratch_shapes=[
            pltpu.VMEM((_E, 1), jnp.int32),
            pltpu.VMEM((_E, 1), jnp.int32),
        ],
    )(bits_t, bits_t, selmat)

    return w, m

# --- scband reference (transcript-rebuilt; emitter-appended) ---
"""Pipeline reference for scband-expert-choice-router-38482906972900 (READ-ONLY COPY).

The authoritative reference and input builder live on the scoring server;
editing this copy changes nothing except your own understanding.
"""

import jax, jax.numpy as jnp
import numpy as np

HIDDEN_SIZE = 2048
NUM_EXPERTS = 16
EXPERT_CAPACITY = 1024
BATCH = 4
SEQ_LEN = 2048


def setup_inputs(seed: int = 0) -> dict:
    key = jax.random.key(seed)
    k1, k2 = jax.random.split(key)
    hidden_states = jax.random.normal(k1, (BATCH, SEQ_LEN, HIDDEN_SIZE), dtype=jnp.float32)
    # gate weight: nn.Linear(hidden_size, num_experts, bias=False) -> weight [num_experts, hidden_size]
    gate_weight = jax.random.truncated_normal(k2, -2.0, 2.0, (NUM_EXPERTS, HIDDEN_SIZE), dtype=jnp.float32) * 0.01
    return {"hidden_states": hidden_states, "gate_weight": gate_weight}


def reference(hidden_states, gate_weight):
    batch_size, seq_len, _ = hidden_states.shape
    num_experts = gate_weight.shape[0]
    n_tokens = batch_size * seq_len
    cap = min(EXPERT_CAPACITY, n_tokens)

    router_logits = jnp.einsum('bsd,ed->bse', hidden_states.astype(jnp.float32), gate_weight)
    router_logits = jnp.clip(router_logits, -10.0, 10.0)
    router_probs = jax.nn.softmax(router_logits, axis=-1)

    # expert-choice: each expert picks top-capacity tokens
    flat_scores = router_probs.reshape(n_tokens, num_experts).T  # [E, N]
    _, top_idx = jax.lax.top_k(flat_scores, cap)  # [E, cap]
    mask_flat = jnp.zeros((num_experts, n_tokens), dtype=router_probs.dtype)
    mask_flat = mask_flat.at[jnp.arange(num_experts)[:, None], top_idx].set(1.0)
    dispatch_mask = mask_flat.T.reshape(batch_size, seq_len, num_experts)

    dispatch_weights = dispatch_mask * router_probs
    dispatch_weights = dispatch_weights / (dispatch_weights.sum(axis=-1, keepdims=True) + 1e-10)
    return dispatch_weights, dispatch_mask

if __name__ == "__main__":
    import jax
    _d = setup_inputs()
    print(jax.jit(kernel)(*tuple(_d.values())))

</pallas_src>

<mosaic_0001>
#map = affine_map<(d0, d1) -> (0, 0)>
#map1 = affine_map<(d0, d1) -> (0)>
module attributes {stable_mosaic.version = 14 : i64} {
  func.func @_sc_select_body(%arg0: i32, %arg1: i32, %arg2: memref<16x8192xi32, #tpu.memory_space<hbm>>, %arg3: memref<512xi32, #tpu.memory_space<hbm>>, %arg4: memref<8192xi32, #tpu.memory_space<vmem>>, %arg5: memref<256xi32, #tpu.memory_space<vmem>>, %arg6: memref<32xi32, #tpu.memory_space<vmem>>) attributes {dimension_semantics = [#tpu.dimension_semantics<core_parallel>, #tpu.dimension_semantics<subcore_parallel>], iteration_bounds = array<i64: 2, 16>, scalar_prefetch = 0 : i64, scratch_operands = 3 : i64, tpu.core_type = #tpu.core_type<sc_vector_subcore>, window_params = [{transform_indices = #map}, {transform_indices = #map1}]} {
    %mul3A = arith.constant 2 : i32
    %mul3A_0 = arith.muli %arg1, %mul3A : i32
    %add3A = arith.addi %mul3A_0, %arg0 : i32
    %lt3A = arith.constant 16 : i32
    %lt3A_1 = arith.cmpi slt, %add3A, %lt3A : i32
    %convert_element_type3A = arith.extui %lt3A_1 : i1 to i32
    %cond3A = arith.constant 0 : i32
    %cond3A_2 = arith.cmpi ne, %convert_element_type3A, %cond3A : i32
    scf.if %cond3A_2 {
      "tpu.region"() ({
        %run_scoped3A = tpu.sem_alloc : memref<!tpu.dma_semaphore, #tpu.memory_space<semaphore_mem>>
        %dma_start3A = arith.constant 0 : i32
        %dma_start3A_864 = tpu.memref_slice %arg2[%add3A, %dma_start3A] : memref<16x8192xi32, #tpu.memory_space<hbm>> -> memref<1x8192xi32, #tpu.memory_space<hbm>>
        %dma_start3A_865 = tpu.memref_squeeze %dma_start3A_864 : memref<1x8192xi32, #tpu.memory_space<hbm>> -> memref<8192xi32, #tpu.memory_space<hbm>>
        %dma_start3A_866 = arith.constant 0 : i32
        %dma_start3A_867 = tpu.memref_slice %arg2[%add3A, %dma_start3A_866] : memref<16x8192xi32, #tpu.memory_space<hbm>> -> memref<1x8192xi32, #tpu.memory_space<hbm>>
        %dma_start3A_868 = tpu.memref_squeeze %dma_start3A_867 : memref<1x8192xi32, #tpu.memory_space<hbm>> -> memref<8192xi32, #tpu.memory_space<hbm>>
        tpu.enqueue_dma source(%dma_start3A_868 : memref<8192xi32, #tpu.memory_space<hbm>>) target(%arg4 : memref<8192xi32, #tpu.memory_space<vmem>>) target_semaphore(%run_scoped3A : memref<!tpu.dma_semaphore, #tpu.memory_space<semaphore_mem>>)
        %dma_wait3A = arith.constant 0 : i32
        %dma_wait3A_869 = tpu.memref_slice %arg2[%add3A, %dma_wait3A] : memref<16x8192xi32, #tpu.memory_space<hbm>> -> memref<1x8192xi32, #tpu.memory_space<hbm>>
        %dma_wait3A_870 = tpu.memref_squeeze %dma_wait3A_869 : memref<1x8192xi32, #tpu.memory_space<hbm>> -> memref<8192xi32, #tpu.memory_space<hbm>>
        %dma_wait3A_871 = arith.constant 0 : i32
        %dma_wait3A_872 = tpu.memref_slice %arg2[%add3A, %dma_wait3A_871] : memref<16x8192xi32, #tpu.memory_space<hbm>> -> memref<1x8192xi32, #tpu.memory_space<hbm>>
        %dma_wait3A_873 = tpu.memref_squeeze %dma_wait3A_872 : memref<1x8192xi32, #tpu.memory_space<hbm>> -> memref<8192xi32, #tpu.memory_space<hbm>>
        tpu.wait_dma2 semaphore(%run_scoped3A : memref<!tpu.dma_semaphore, #tpu.memory_space<semaphore_mem>>) src(%dma_wait3A_873 : memref<8192xi32, #tpu.memory_space<hbm>>) dst(%arg4 : memref<8192xi32, #tpu.memory_space<vmem>>)
        tpu.yield
      }) : () -> ()
      %broadcast_in_dim3A = arith.constant 1 : i32
      %broadcast_in_dim3A_3 = vector.broadcast %broadcast_in_dim3A : i32 to vector<16xi32>
      %broadcast_in_dim3A_4 = arith.constant 0 : i32
      %broadcast_in_dim3A_5 = vector.broadcast %broadcast_in_dim3A_4 : i32 to vector<16xi32>
      %broadcast_in_dim3A_6 = arith.constant 0 : i32
      %broadcast_in_dim3A_7 = vector.broadcast %broadcast_in_dim3A_6 : i32 to vector<16xi32>
      %broadcast_in_dim3A_8 = arith.constant 1024 : i32
      %broadcast_in_dim3A_9 = vector.broadcast %broadcast_in_dim3A_8 : i32 to vector<16xi32>
      %swap3A = arith.constant 0 : index
      %swap3A_10 = tpu.vector_load %arg5[%swap3A] {strides = array<i32>} : memref<256xi32, #tpu.memory_space<vmem>>, vector<16xi32>,
      tpu.vector_store %arg5[%swap3A], %broadcast_in_dim3A_5 {strides = array<i32>} : memref<256xi32, #tpu.memory_space<vmem>>, vector<16xi32>,
      %swap3A_11 = arith.constant 16 : index
      %swap3A_12 = tpu.vector_load %arg5[%swap3A_11] {strides = array<i32>} : memref<256xi32, #tpu.memory_space<vmem>>, vector<16xi32>,
      tpu.vector_store %arg5[%swap3A_11], %broadcast_in_dim3A_5 {strides = array<i32>} : memref<256xi32, #tpu.memory_space<vmem>>, vector<16xi32>,
      %swap3A_13 = arith.constant 32 : index
      %swap3A_14 = tpu.vector_load %arg5[%swap3A_13] {strides = array<i32>} : memref<256xi32, #tpu.memory_space<vmem>>, vector<16xi32>,
      tpu.vector_store %arg5[%swap3A_13], %broadcast_in_dim3A_5 {strides = array<i32>} : memref<256xi32, #tpu.memory_space<vmem>>, vector<16xi32>,
      %swap3A_15 = arith.constant 48 : index
      %swap3A_16 = tpu.vector_load %arg5[%swap3A_15] {strides = array<i32>} : memref<256xi32, #tpu.memory_space<vmem>>, vector<16xi32>,
      tpu.vector_store %arg5[%swap3A_15], %broadcast_in_dim3A_5 {strides = array<i32>} : memref<256xi32, #tpu.memory_space<vmem>>, vector<16xi32>,
      %swap3A_17 = arith.constant 64 : index
      %swap3A_18 = tpu.vector_load %arg5[%swap3A_17] {strides = array<i32>} : memref<256xi32, #tpu.memory_space<vmem>>, vector<16xi32>,
      tpu.vector_store %arg5[%swap3A_17], %broadcast_in_dim3A_5 {strides = array<i32>} : memref<256xi32, #tpu.memory_space<vmem>>, vector<16xi32>,
      %swap3A_19 = arith.constant 80 : index
      %swap3A_20 = tpu.vector_load %arg5[%swap3A_19] {strides = array<i32>} : memref<256xi32, #tpu.memory_space<vmem>>, vector<16xi32>,
      tpu.vector_store %arg5[%swap3A_19], %broadcast_in_dim3A_5 {strides = array<i32>} : memref<256xi32, #tpu.memory_space<vmem>>, vector<16xi32>,
      %swap3A_21 = arith.constant 96 : index
      %swap3A_22 = tpu.vector_load %arg5[%swap3A_21] {strides = array<i32>} : memref<256xi32, #tpu.memory_space<vmem>>, vector<16xi32>,
      tpu.vector_store %arg5[%swap3A_21], %broadcast_in_dim3A_5 {strides = array<i32>} : memref<256xi32, #tpu.memory_space<vmem>>, vector<16xi32>,
      %swap3A_23 = arith.constant 112 : index
      %swap3A_24 = tpu.vector_load %arg5[%swap3A_23] {strides = array<i32>} : memref<256xi32, #tpu.memory_space<vmem>>, vector<16xi32>,
      tpu.vector_store %arg5[%swap3A_23], %broadcast_in_dim3A_5 {strides = array<i32>} : memref<256xi32, #tpu.memory_space<vmem>>, vector<16xi32>,
      %swap3A_25 = arith.constant 128 : index
      %swap3A_26 = tpu.vector_load %arg5[%swap3A_25] {strides = array<i32>} : memref<256xi32, #tpu.memory_space<vmem>>, vector<16xi32>,
      tpu.vector_store %arg5[%swap3A_25], %broadcast_in_dim3A_5 {strides = array<i32>} : memref<256xi32, #tpu.memory_space<vmem>>, vector<16xi32>,
      %swap3A_27 = arith.constant 144 : index
      %swap3A_28 = tpu.vector_load %arg5[%swap3A_27] {strides = array<i32>} : memref<256xi32, #tpu.memory_space<vmem>>, vector<16xi32>,
      tpu.vector_store %arg5[%swap3A_27], %broadcast_in_dim3A_5 {strides = array<i32>} : memref<256xi32, #tpu.memory_space<vmem>>, vector<16xi32>,
      %swap3A_29 = arith.constant 160 : index
      %swap3A_30 = tpu.vector_load %arg5[%swap3A_29] {strides = array<i32>} : memref<256xi32, #tpu.memory_space<vmem>>, vector<16xi32>,
      tpu.vector_store %arg5[%swap3A_29], %broadcast_in_dim3A_5 {strides = array<i32>} : memref<256xi32, #tpu.memory_space<vmem>>, vector<16xi32>,
      %swap3A_31 = arith.constant 176 : index
      %swap3A_32 = tpu.vector_load %arg5[%swap3A_31] {strides = array<i32>} : memref<256xi32, #tpu.memory_space<vmem>>, vector<16xi32>,
      tpu.vector_store %arg5[%swap3A_31], %broadcast_in_dim3A_5 {strides = array<i32>} : memref<256xi32, #tpu.memory_space<vmem>>, vector<16xi32>,
      %swap3A_33 = arith.constant 192 : index
      %swap3A_34 = tpu.vector_load %arg5[%swap3A_33] {strides = array<i32>} : memref<256xi32, #tpu.memory_space<vmem>>, vector<16xi32>,
      tpu.vector_store %arg5[%swap3A_33], %broadcast_in_dim3A_5 {strides = array<i32>} : memref<256xi32, #tpu.memory_space<vmem>>, vector<16xi32>,
      %swap3A_35 = arith.constant 208 : index
      %swap3A_36 = tpu.vector_load %arg5[%swap3A_35] {strides = array<i32>} : memref<256xi32, #tpu.memory_space<vmem>>, vector<16xi32>,
      tpu.vector_store %arg5[%swap3A_35], %broadcast_in_dim3A_5 {strides = array<i32>} : memref<256xi32, #tpu.memory_space<vmem>>, vector<16xi32>,
      %swap3A_37 = arith.constant 224 : index
      %swap3A_38 = tpu.vector_load %arg5[%swap3A_37] {strides = array<i32>} : memref<256xi32, #tpu.memory_space<vmem>>, vector<16xi32>,
      tpu.vector_store %arg5[%swap3A_37], %broadcast_in_dim3A_5 {strides = array<i32>} : memref<256xi32, #tpu.memory_space<vmem>>, vector<16xi32>,
      %swap3A_39 = arith.constant 240 : index
      %swap3A_40 = tpu.vector_load %arg5[%swap3A_39] {strides = array<i32>} : memref<256xi32, #tpu.memory_space<vmem>>, vector<16xi32>,
      tpu.vector_store %arg5[%swap3A_39], %broadcast_in_dim3A_5 {strides = array<i32>} : memref<256xi32, #tpu.memory_space<vmem>>, vector<16xi32>,
      %parallel_loop3A = arith.constant 0 : i32
      %parallel_loop3A_41 = arith.constant 512 : i32
      %parallel_loop3A_42 = arith.constant 1 : i32
      scf.for %parallel_loop3A_864 = %parallel_loop3A to %parallel_loop3A_41 step %parallel_loop3A_42  : i32 {
        %parallel_loop3A_865 = arith.constant 16 : i32
        %parallel_loop3A_866 = arith.muli %parallel_loop3A_864, %parallel_loop3A_865 : i32
        %parallel_loop3A_867 = arith.index_cast %parallel_loop3A_866 : i32 to index
        %parallel_loop3A_868 = tpu.vector_load %arg4[%parallel_loop3A_867] {strides = array<i32>} : memref<8192xi32, #tpu.memory_space<vmem>>, vector<16xi32>,
        %parallel_loop3A_869 = arith.constant 788787455 : i32
        %parallel_loop3A_870 = vector.broadcast %parallel_loop3A_869 : i32 to vector<16xi32>
        %parallel_loop3A_871 = arith.subi %parallel_loop3A_868, %parallel_loop3A_870 : vector<16xi32>
        %parallel_loop3A_872 = arith.constant 30 : i32
        %parallel_loop3A_873 = vector.broadcast %parallel_loop3A_872 : i32 to vector<16xi32>
        %parallel_loop3A_874 = arith.shrsi %parallel_loop3A_871, %parallel_loop3A_873 : vector<16xi32>
        %parallel_loop3A_875 = arith.cmpi eq, %parallel_loop3A_874, %broadcast_in_dim3A_7 : vector<16xi32>
        %parallel_loop3A_876 = arith.constant 25 : i32
        %parallel_loop3A_877 = vector.broadcast %parallel_loop3A_876 : i32 to vector<16xi32>
        %parallel_loop3A_878 = arith.shrsi %parallel_loop3A_871, %parallel_loop3A_877 : vector<16xi32>
        %parallel_loop3A_879 = arith.constant 31 : i32
        %parallel_loop3A_880 = vector.broadcast %parallel_loop3A_879 : i32 to vector<16xi32>
        %parallel_loop3A_881 = arith.andi %parallel_loop3A_878, %parallel_loop3A_880 : vector<16xi32>
        %parallel_loop3A_882 = arith.constant 7 : i32
        %parallel_loop3A_883 = arith.andi %parallel_loop3A_864, %parallel_loop3A_882 : i32
        %parallel_loop3A_884 = arith.constant 32 : i32
        %parallel_loop3A_885 = arith.muli %parallel_loop3A_883, %parallel_loop3A_884 : i32
        %parallel_loop3A_886 = vector.broadcast %parallel_loop3A_885 : i32 to vector<16xi32>
        %parallel_loop3A_887 = arith.addi %parallel_loop3A_881, %parallel_loop3A_886 : vector<16xi32>
        tpu.vector_store_idx %arg5[%parallel_loop3A_887], %broadcast_in_dim3A_3 masked %parallel_loop3A_875 {add = true} : memref<256xi32, #tpu.memory_space<vmem>>[vector<16xi32>], vector<16xi32>, vector<16xi1>
      } {sc.loop_unroll_factor = 8 : i64, sc.parallel_access}
      %get3A = arith.constant 0 : index
      %get3A_43 = tpu.vector_load %arg5[%get3A] {strides = array<i32>} : memref<256xi32, #tpu.memory_space<vmem>>, vector<16xi32>,
      %get3A_44 = arith.constant 16 : index
      %get3A_45 = tpu.vector_load %arg5[%get3A_44] {strides = array<i32>} : memref<256xi32, #tpu.memory_space<vmem>>, vector<16xi32>,
      %get3A_46 = arith.constant 32 : index
      %get3A_47 = tpu.vector_load %arg5[%get3A_46] {strides = array<i32>} : memref<256xi32, #tpu.memory_space<vmem>>, vector<16xi32>,
      %add3A_48 = arith.addi %get3A_43, %get3A_47 : vector<16xi32>
      %get3A_49 = arith.constant 48 : index
      %get3A_50 = tpu.vector_load %arg5[%get3A_49] {strides = array<i32>} : memref<256xi32, #tpu.memory_space<vmem>>, vector<16xi32>,
      %add3A_51 = arith.addi %get3A_45, %get3A_50 : vector<16xi32>
      %get3A_52 = arith.constant 64 : index
      %get3A_53 = tpu.vector_load %arg5[%get3A_52] {strides = array<i32>} : memref<256xi32, #tpu.memory_space<vmem>>, vector<16xi32>,
      %add3A_54 = arith.addi %add3A_48, %get3A_53 : vector<16xi32>
      %get3A_55 = arith.constant 80 : index
      %get3A_56 = tpu.vector_load %arg5[%get3A_55] {strides = array<i32>} : memref<256xi32, #tpu.memory_space<vmem>>, vector<16xi32>,
      %add3A_57 = arith.addi %add3A_51, %get3A_56 : vector<16xi32>
      %get3A_58 = arith.constant 96 : index
      %get3A_59 = tpu.vector_load %arg5[%get3A_58] {strides = array<i32>} : memref<256xi32, #tpu.memory_space<vmem>>, vector<16xi32>,
      %add3A_60 = arith.addi %add3A_54, %get3A_59 : vector<16xi32>
      %get3A_61 = arith.constant 112 : index
      %get3A_62 = tpu.vector_load %arg5[%get3A_61] {strides = array<i32>} : memref<256xi32, #tpu.memory_space<vmem>>, vector<16xi32>,
      %add3A_63 = arith.addi %add3A_57, %get3A_62 : vector<16xi32>
      %get3A_64 = arith.constant 128 : index
      %get3A_65 = tpu.vector_load %arg5[%get3A_64] {strides = array<i32>} : memref<256xi32, #tpu.memory_space<vmem>>, vector<16xi32>,
      %add3A_66 = arith.addi %add3A_60, %get3A_65 : vector<16xi32>
      %get3A_67 = arith.constant 144 : index
      %get3A_68 = tpu.vector_load %arg5[%get3A_67] {strides = array<i32>} : memref<256xi32, #tpu.memory_space<vmem>>, vector<16xi32>,
      %add3A_69 = arith.addi %add3A_63, %get3A_68 : vector<16xi32>
      %get3A_70 = arith.constant 160 : index
      %get3A_71 = tpu.vector_load %arg5[%get3A_70] {strides = array<i32>} : memref<256xi32, #tpu.memory_space<vmem>>, vector<16xi32>,
      %add3A_72 = arith.addi %add3A_66, %get3A_71 : vector<16xi32>
      %get3A_73 = arith.constant 176 : index
      %get3A_74 = tpu.vector_load %arg5[%get3A_73] {strides = array<i32>} : memref<256xi32, #tpu.memory_space<vmem>>, vector<16xi32>,
      %add3A_75 = arith.addi %add3A_69, %get3A_74 : vector<16xi32>
      %get3A_76 = arith.constant 192 : index
      %get3A_77 = tpu.vector_load %arg5[%get3A_76] {strides = array<i32>} : memref<256xi32, #tpu.memory_space<vmem>>, vector<16xi32>,
      %add3A_78 = arith.addi %add3A_72, %get3A_77 : vector<16xi32>
      %get3A_79 = arith.constant 208 : index
      %get3A_80 = tpu.vector_load %arg5[%get3A_79] {strides = array<i32>} : memref<256xi32, #tpu.memory_space<vmem>>, vector<16xi32>,
      %add3A_81 = arith.addi %add3A_75, %get3A_80 : vector<16xi32>
      %get3A_82 = arith.constant 224 : index
      %get3A_83 = tpu.vector_load %arg5[%get3A_82] {strides = array<i32>} : memref<256xi32, #tpu.memory_space<vmem>>, vector<16xi32>,
      %add3A_84 = arith.addi %add3A_78, %get3A_83 : vector<16xi32>
      %get3A_85 = arith.constant 240 : index
      %get3A_86 = tpu.vector_load %arg5[%get3A_85] {strides = array<i32>} : memref<256xi32, #tpu.memory_space<vmem>>, vector<16xi32>,
      %add3A_87 = arith.addi %add3A_81, %get3A_86 : vector<16xi32>
      %reduce_sum3A = arith.constant true
      %reduce_sum3A_88 = vector.broadcast %reduce_sum3A : i1 to vector<16xi1>
      %reduce_sum3A_89 = tpu.scan <sum>, %add3A_87 masked %reduce_sum3A_88 : vector<16xi32>, vector<16xi1> -> vector<16xi32>
      %reduce_sum3A_90 = vector.extract %reduce_sum3A_89[15] : i32 from vector<16xi32>
      %rev3A = arith.constant 15 : i32
      %rev3A_91 = vector.broadcast %rev3A : i32 to vector<16xi32>
      %rev3A_92 = tpu.iota {dimensions = array<i32: 0>} : vector<16xi32>
      %rev3A_93 = arith.subi %rev3A_91, %rev3A_92 : vector<16xi32>
      %rev3A_94 = tpu.dynamic_gather %add3A_84[%rev3A_93] in [0] : vector<16xi32>, vector<16xi32> -> vector<16xi32>
      %broadcast_in_dim3A_95 = arith.constant true
      %broadcast_in_dim3A_96 = vector.broadcast %broadcast_in_dim3A_95 : i1 to vector<16xi1>
      %masked_cumsum3A = tpu.scan <sum>, %rev3A_94 masked %broadcast_in_dim3A_96 : vector<16xi32>, vector<16xi1> -> vector<16xi32>
      %rev3A_97 = arith.constant 15 : i32
      %rev3A_98 = vector.broadcast %rev3A_97 : i32 to vector<16xi32>
      %rev3A_99 = tpu.iota {dimensions = array<i32: 0>} : vector<16xi32>
      %rev3A_100 = arith.subi %rev3A_98, %rev3A_99 : vector<16xi32>
      %rev3A_101 = tpu.dynamic_gather %masked_cumsum3A[%rev3A_100] in [0] : vector<16xi32>, vector<16xi32> -> vector<16xi32>
      %add3A_102 = vector.broadcast %reduce_sum3A_90 : i32 to vector<16xi32>
      %add3A_103 = arith.addi %rev3A_101, %add3A_102 : vector<16xi32>
      %rev3A_104 = arith.constant 15 : i32
      %rev3A_105 = vector.broadcast %rev3A_104 : i32 to vector<16xi32>
      %rev3A_106 = tpu.iota {dimensions = array<i32: 0>} : vector<16xi32>
      %rev3A_107 = arith.subi %rev3A_105, %rev3A_106 : vector<16xi32>
      %rev3A_108 = tpu.dynamic_gather %add3A_87[%rev3A_107] in [0] : vector<16xi32>, vector<16xi32> -> vector<16xi32>
      %broadcast_in_dim3A_109 = arith.constant true
      %broadcast_in_dim3A_110 = vector.broadcast %broadcast_in_dim3A_109 : i1 to vector<16xi1>
      %masked_cumsum3A_111 = tpu.scan <sum>, %rev3A_108 masked %broadcast_in_dim3A_110 : vector<16xi32>, vector<16xi1> -> vector<16xi32>
      %rev3A_112 = arith.constant 15 : i32
      %rev3A_113 = vector.broadcast %rev3A_112 : i32 to vector<16xi32>
      %rev3A_114 = tpu.iota {dimensions = array<i32: 0>} : vector<16xi32>
      %rev3A_115 = arith.subi %rev3A_113, %rev3A_114 : vector<16xi32>
      %rev3A_116 = tpu.dynamic_gather %masked_cumsum3A_111[%rev3A_115] in [0] : vector<16xi32>, vector<16xi32> -> vector<16xi32>
      %ge3A = arith.cmpi sge, %add3A_103, %broadcast_in_dim3A_9 : vector<16xi32>
      %ge3A_117 = arith.cmpi sge, %rev3A_116, %broadcast_in_dim3A_9 : vector<16xi32>
      %all_reduce_population_count3A = tpu.all_reduce %ge3A {dim = 0 : i64, kind = #tpu.reduction_kind<sum>} : vector<16xi1> -> vector<16xi32>
      %all_reduce_population_count3A_118 = tpu.all_reduce %ge3A_117 {dim = 0 : i64, kind = #tpu.reduction_kind<sum>} : vector<16xi1> -> vector<16xi32>
      %add3A_119 = arith.addi %all_reduce_population_count3A, %all_reduce_population_count3A_118 : vector<16xi32>
      %sub3A = arith.constant 1 : i32
      %sub3A_120 = vector.broadcast %sub3A : i32 to vector<16xi32>
      %sub3A_121 = arith.subi %add3A_119, %sub3A_120 : vector<16xi32>
      %jit3A = arith.constant 0 : i32
      %broadcast_in_dim3A_122 = vector.broadcast %jit3A : i32 to vector<16xi32>
      %select_n3A = arith.select %ge3A, %broadcast_in_dim3A_122, %add3A_84 : vector<16xi1>, vector<16xi32>
      %reduce_sum3A_123 = arith.constant true
      %reduce_sum3A_124 = vector.broadcast %reduce_sum3A_123 : i1 to vector<16xi1>
      %reduce_sum3A_125 = tpu.scan <sum>, %select_n3A masked %reduce_sum3A_124 : vector<16xi32>, vector<16xi1> -> vector<16xi32>
      %reduce_sum3A_126 = vector.extract %reduce_sum3A_125[15] : i32 from vector<16xi32>
      %jit3A_127 = arith.constant 0 : i32
      %broadcast_in_dim3A_128 = vector.broadcast %jit3A_127 : i32 to vector<16xi32>
      %select_n3A_129 = arith.select %ge3A_117, %broadcast_in_dim3A_128, %add3A_87 : vector<16xi1>, vector<16xi32>
      %reduce_sum3A_130 = arith.constant true
      %reduce_sum3A_131 = vector.broadcast %reduce_sum3A_130 : i1 to vector<16xi1>
      %reduce_sum3A_132 = tpu.scan <sum>, %select_n3A_129 masked %reduce_sum3A_131 : vector<16xi32>, vector<16xi1> -> vector<16xi32>
      %reduce_sum3A_133 = vector.extract %reduce_sum3A_132[15] : i32 from vector<16xi32>
      %add3A_134 = arith.addi %reduce_sum3A_126, %reduce_sum3A_133 : i32
      %sub3A_135 = vector.broadcast %add3A_134 : i32 to vector<16xi32>
      %sub3A_136 = arith.subi %broadcast_in_dim3A_9, %sub3A_135 : vector<16xi32>
      %mul3A_137 = arith.constant 32 : i32
      %mul3A_138 = vector.broadcast %mul3A_137 : i32 to vector<16xi32>
      %mul3A_139 = arith.muli %broadcast_in_dim3A_7, %mul3A_138 : vector<16xi32>
      %add3A_140 = arith.addi %mul3A_139, %sub3A_121 : vector<16xi32>
      %swap3A_141 = arith.constant 0 : index
      %swap3A_142 = tpu.vector_load %arg5[%swap3A_141] {strides = array<i32>} : memref<256xi32, #tpu.memory_space<vmem>>, vector<16xi32>,
      tpu.vector_store %arg5[%swap3A_141], %broadcast_in_dim3A_5 {strides = array<i32>} : memref<256xi32, #tpu.memory_space<vmem>>, vector<16xi32>,
      %swap3A_143 = arith.constant 16 : index
      %swap3A_144 = tpu.vector_load %arg5[%swap3A_143] {strides = array<i32>} : memref<256xi32, #tpu.memory_space<vmem>>, vector<16xi32>,
      tpu.vector_store %arg5[%swap3A_143], %broadcast_in_dim3A_5 {strides = array<i32>} : memref<256xi32, #tpu.memory_space<vmem>>, vector<16xi32>,
      %swap3A_145 = arith.constant 32 : index
      %swap3A_146 = tpu.vector_load %arg5[%swap3A_145] {strides = array<i32>} : memref<256xi32, #tpu.memory_space<vmem>>, vector<16xi32>,
      tpu.vector_store %arg5[%swap3A_145], %broadcast_in_dim3A_5 {strides = array<i32>} : memref<256xi32, #tpu.memory_space<vmem>>, vector<16xi32>,
      %swap3A_147 = arith.constant 48 : index
      %swap3A_148 = tpu.vector_load %arg5[%swap3A_147] {strides = array<i32>} : memref<256xi32, #tpu.memory_space<vmem>>, vector<16xi32>,
      tpu.vector_store %arg5[%swap3A_147], %broadcast_in_dim3A_5 {strides = array<i32>} : memref<256xi32, #tpu.memory_space<vmem>>, vector<16xi32>,
      %swap3A_149 = arith.constant 64 : index
      %swap3A_150 = tpu.vector_load %arg5[%swap3A_149] {strides = array<i32>} : memref<256xi32, #tpu.memory_space<vmem>>, vector<16xi32>,
      tpu.vector_store %arg5[%swap3A_149], %broadcast_in_dim3A_5 {strides = array<i32>} : memref<256xi32, #tpu.memory_space<vmem>>, vector<16xi32>,
      %swap3A_151 = arith.constant 80 : index
      %swap3A_152 = tpu.vector_load %arg5[%swap3A_151] {strides = array<i32>} : memref<256xi32, #tpu.memory_space<vmem>>, vector<16xi32>,
      tpu.vector_store %arg5[%swap3A_151], %broadcast_in_dim3A_5 {strides = array<i32>} : memref<256xi32, #tpu.memory_space<vmem>>, vector<16xi32>,
      %swap3A_153 = arith.constant 96 : index
      %swap3A_154 = tpu.vector_load %arg5[%swap3A_153] {strides = array<i32>} : memref<256xi32, #tpu.memory_space<vmem>>, vector<16xi32>,
      tpu.vector_store %arg5[%swap3A_153], %broadcast_in_dim3A_5 {strides = array<i32>} : memref<256xi32, #tpu.memory_space<vmem>>, vector<16xi32>,
      %swap3A_155 = arith.constant 112 : index
      %swap3A_156 = tpu.vector_load %arg5[%swap3A_155] {strides = array<i32>} : memref<256xi32, #tpu.memory_space<vmem>>, vector<16xi32>,
      tpu.vector_store %arg5[%swap3A_155], %broadcast_in_dim3A_5 {strides = array<i32>} : memref<256xi32, #tpu.memory_space<vmem>>, vector<16xi32>,
      %swap3A_157 = arith.constant 128 : index
      %swap3A_158 = tpu.vector_load %arg5[%swap3A_157] {strides = array<i32>} : memref<256xi32, #tpu.memory_space<vmem>>, vector<16xi32>,
      tpu.vector_store %arg5[%swap3A_157], %broadcast_in_dim3A_5 {strides = array<i32>} : memref<256xi32, #tpu.memory_space<vmem>>, vector<16xi32>,
      %swap3A_159 = arith.constant 144 : index
      %swap3A_160 = tpu.vector_load %arg5[%swap3A_159] {strides = array<i32>} : memref<256xi32, #tpu.memory_space<vmem>>, vector<16xi32>,
      tpu.vector_store %arg5[%swap3A_159], %broadcast_in_dim3A_5 {strides = array<i32>} : memref<256xi32, #tpu.memory_space<vmem>>, vector<16xi32>,
      %swap3A_161 = arith.constant 160 : index
      %swap3A_162 = tpu.vector_load %arg5[%swap3A_161] {strides = array<i32>} : memref<256xi32, #tpu.memory_space<vmem>>, vector<16xi32>,
      tpu.vector_store %arg5[%swap3A_161], %broadcast_in_dim3A_5 {strides = array<i32>} : memref<256xi32, #tpu.memory_space<vmem>>, vector<16xi32>,
      %swap3A_163 = arith.constant 176 : index
      %swap3A_164 = tpu.vector_load %arg5[%swap3A_163] {strides = array<i32>} : memref<256xi32, #tpu.memory_space<vmem>>, vector<16xi32>,
      tpu.vector_store %arg5[%swap3A_163], %broadcast_in_dim3A_5 {strides = array<i32>} : memref<256xi32, #tpu.memory_space<vmem>>, vector<16xi32>,
      %swap3A_165 = arith.constant 192 : index
      %swap3A_166 = tpu.vector_load %arg5[%swap3A_165] {strides = array<i32>} : memref<256xi32, #tpu.memory_space<vmem>>, vector<16xi32>,
      tpu.vector_store %arg5[%swap3A_165], %broadcast_in_dim3A_5 {strides = array<i32>} : memref<256xi32, #tpu.memory_space<vmem>>, vector<16xi32>,
      %swap3A_167 = arith.constant 208 : index
      %swap3A_168 = tpu.vector_load %arg5[%swap3A_167] {strides = array<i32>} : memref<256xi32, #tpu.memory_space<vmem>>, vector<16xi32>,
      tpu.vector_store %arg5[%swap3A_167], %broadcast_in_dim3A_5 {strides = array<i32>} : memref<256xi32, #tpu.memory_space<vmem>>, vector<16xi32>,
      %swap3A_169 = arith.constant 224 : index
      %swap3A_170 = tpu.vector_load %arg5[%swap3A_169] {strides = array<i32>} : memref<256xi32, #tpu.memory_space<vmem>>, vector<16xi32>,
      tpu.vector_store %arg5[%swap3A_169], %broadcast_in_dim3A_5 {strides = array<i32>} : memref<256xi32, #tpu.memory_space<vmem>>, vector<16xi32>,
      %swap3A_171 = arith.constant 240 : index
      %swap3A_172 = tpu.vector_load %arg5[%swap3A_171] {strides = array<i32>} : memref<256xi32, #tpu.memory_space<vmem>>, vector<16xi32>,
      tpu.vector_store %arg5[%swap3A_171], %broadcast_in_dim3A_5 {strides = array<i32>} : memref<256xi32, #tpu.memory_space<vmem>>, vector<16xi32>,
      %parallel_loop3A_173 = arith.constant 0 : i32
      %parallel_loop3A_174 = arith.constant 512 : i32
      %parallel_loop3A_175 = arith.constant 1 : i32
      scf.for %parallel_loop3A_864 = %parallel_loop3A_173 to %parallel_loop3A_174 step %parallel_loop3A_175  : i32 {
        %parallel_loop3A_865 = arith.constant 16 : i32
        %parallel_loop3A_866 = arith.muli %parallel_loop3A_864, %parallel_loop3A_865 : i32
        %parallel_loop3A_867 = arith.index_cast %parallel_loop3A_866 : i32 to index
        %parallel_loop3A_868 = tpu.vector_load %arg4[%parallel_loop3A_867] {strides = array<i32>} : memref<8192xi32, #tpu.memory_space<vmem>>, vector<16xi32>,
        %parallel_loop3A_869 = arith.constant 788787455 : i32
        %parallel_loop3A_870 = vector.broadcast %parallel_loop3A_869 : i32 to vector<16xi32>
        %parallel_loop3A_871 = arith.subi %parallel_loop3A_868, %parallel_loop3A_870 : vector<16xi32>
        %parallel_loop3A_872 = arith.constant 25 : i32
        %parallel_loop3A_873 = vector.broadcast %parallel_loop3A_872 : i32 to vector<16xi32>
        %parallel_loop3A_874 = arith.shrsi %parallel_loop3A_871, %parallel_loop3A_873 : vector<16xi32>
        %parallel_loop3A_875 = arith.cmpi eq, %parallel_loop3A_874, %add3A_140 : vector<16xi32>
        %parallel_loop3A_876 = arith.constant 20 : i32
        %parallel_loop3A_877 = vector.broadcast %parallel_loop3A_876 : i32 to vector<16xi32>
        %parallel_loop3A_878 = arith.shrsi %parallel_loop3A_871, %parallel_loop3A_877 : vector<16xi32>
        %parallel_loop3A_879 = arith.constant 31 : i32
        %parallel_loop3A_880 = vector.broadcast %parallel_loop3A_879 : i32 to vector<16xi32>
        %parallel_loop3A_881 = arith.andi %parallel_loop3A_878, %parallel_loop3A_880 : vector<16xi32>
        %parallel_loop3A_882 = arith.constant 7 : i32
        %parallel_loop3A_883 = arith.andi %parallel_loop3A_864, %parallel_loop3A_882 : i32
        %parallel_loop3A_884 = arith.constant 32 : i32
        %parallel_loop3A_885 = arith.muli %parallel_loop3A_883, %parallel_loop3A_884 : i32
        %parallel_loop3A_886 = vector.broadcast %parallel_loop3A_885 : i32 to vector<16xi32>
        %parallel_loop3A_887 = arith.addi %parallel_loop3A_881, %parallel_loop3A_886 : vector<16xi32>
        tpu.vector_store_idx %arg5[%parallel_loop3A_887], %broadcast_in_dim3A_3 masked %parallel_loop3A_875 {add = true} : memref<256xi32, #tpu.memory_space<vmem>>[vector<16xi32>], vector<16xi32>, vector<16xi1>
      } {sc.loop_unroll_factor = 8 : i64, sc.parallel_access}
      %get3A_176 = arith.constant 0 : index
      %get3A_177 = tpu.vector_load %arg5[%get3A_176] {strides = array<i32>} : memref<256xi32, #tpu.memory_space<vmem>>, vector<16xi32>,
      %get3A_178 = arith.constant 16 : index
      %get3A_179 = tpu.vector_load %arg5[%get3A_178] {strides = array<i32>} : memref<256xi32, #tpu.memory_space<vmem>>, vector<16xi32>,
      %get3A_180 = arith.constant 32 : index
      %get3A_181 = tpu.vector_load %arg5[%get3A_180] {strides = array<i32>} : memref<256xi32, #tpu.memory_space<vmem>>, vector<16xi32>,
      %add3A_182 = arith.addi %get3A_177, %get3A_181 : vector<16xi32>
      %get3A_183 = arith.constant 48 : index
      %get3A_184 = tpu.vector_load %arg5[%get3A_183] {strides = array<i32>} : memref<256xi32, #tpu.memory_space<vmem>>, vector<16xi32>,
      %add3A_185 = arith.addi %get3A_179, %get3A_184 : vector<16xi32>
      %get3A_186 = arith.constant 64 : index
      %get3A_187 = tpu.vector_load %arg5[%get3A_186] {strides = array<i32>} : memref<256xi32, #tpu.memory_space<vmem>>, vector<16xi32>,
      %add3A_188 = arith.addi %add3A_182, %get3A_187 : vector<16xi32>
      %get3A_189 = arith.constant 80 : index
      %get3A_190 = tpu.vector_load %arg5[%get3A_189] {strides = array<i32>} : memref<256xi32, #tpu.memory_space<vmem>>, vector<16xi32>,
      %add3A_191 = arith.addi %add3A_185, %get3A_190 : vector<16xi32>
      %get3A_192 = arith.constant 96 : index
      %get3A_193 = tpu.vector_load %arg5[%get3A_192] {strides = array<i32>} : memref<256xi32, #tpu.memory_space<vmem>>, vector<16xi32>,
      %add3A_194 = arith.addi %add3A_188, %get3A_193 : vector<16xi32>
      %get3A_195 = arith.constant 112 : index
      %get3A_196 = tpu.vector_load %arg5[%get3A_195] {strides = array<i32>} : memref<256xi32, #tpu.memory_space<vmem>>, vector<16xi32>,
      %add3A_197 = arith.addi %add3A_191, %get3A_196 : vector<16xi32>
      %get3A_198 = arith.constant 128 : index
      %get3A_199 = tpu.vector_load %arg5[%get3A_198] {strides = array<i32>} : memref<256xi32, #tpu.memory_space<vmem>>, vector<16xi32>,
      %add3A_200 = arith.addi %add3A_194, %get3A_199 : vector<16xi32>
      %get3A_201 = arith.constant 144 : index
      %get3A_202 = tpu.vector_load %arg5[%get3A_201] {strides = array<i32>} : memref<256xi32, #tpu.memory_space<vmem>>, vector<16xi32>,
      %add3A_203 = arith.addi %add3A_197, %get3A_202 : vector<16xi32>
      %get3A_204 = arith.constant 160 : index
      %get3A_205 = tpu.vector_load %arg5[%get3A_204] {strides = array<i32>} : memref<256xi32, #tpu.memory_space<vmem>>, vector<16xi32>,
      %add3A_206 = arith.addi %add3A_200, %get3A_205 : vector<16xi32>
      %get3A_207 = arith.constant 176 : index
      %get3A_208 = tpu.vector_load %arg5[%get3A_207] {strides = array<i32>} : memref<256xi32, #tpu.memory_space<vmem>>, vector<16xi32>,
      %add3A_209 = arith.addi %add3A_203, %get3A_208 : vector<16xi32>
      %get3A_210 = arith.constant 192 : index
      %get3A_211 = tpu.vector_load %arg5[%get3A_210] {strides = array<i32>} : memref<256xi32, #tpu.memory_space<vmem>>, vector<16xi32>,
      %add3A_212 = arith.addi %add3A_206, %get3A_211 : vector<16xi32>
      %get3A_213 = arith.constant 208 : index
      %get3A_214 = tpu.vector_load %arg5[%get3A_213] {strides = array<i32>} : memref<256xi32, #tpu.memory_space<vmem>>, vector<16xi32>,
      %add3A_215 = arith.addi %add3A_209, %get3A_214 : vector<16xi32>
      %get3A_216 = arith.constant 224 : index
      %get3A_217 = tpu.vector_load %arg5[%get3A_216] {strides = array<i32>} : memref<256xi32, #tpu.memory_space<vmem>>, vector<16xi32>,
      %add3A_218 = arith.addi %add3A_212, %get3A_217 : vector<16xi32>
      %get3A_219 = arith.constant 240 : index
      %get3A_220 = tpu.vector_load %arg5[%get3A_219] {strides = array<i32>} : memref<256xi32, #tpu.memory_space<vmem>>, vector<16xi32>,
      %add3A_221 = arith.addi %add3A_215, %get3A_220 : vector<16xi32>
      %reduce_sum3A_222 = arith.constant true
      %reduce_sum3A_223 = vector.broadcast %reduce_sum3A_222 : i1 to vector<16xi1>
      %reduce_sum3A_224 = tpu.scan <sum>, %add3A_221 masked %reduce_sum3A_223 : vector<16xi32>, vector<16xi1> -> vector<16xi32>
      %reduce_sum3A_225 = vector.extract %reduce_sum3A_224[15] : i32 from vector<16xi32>
      %rev3A_226 = arith.constant 15 : i32
      %rev3A_227 = vector.broadcast %rev3A_226 : i32 to vector<16xi32>
      %rev3A_228 = tpu.iota {dimensions = array<i32: 0>} : vector<16xi32>
      %rev3A_229 = arith.subi %rev3A_227, %rev3A_228 : vector<16xi32>
      %rev3A_230 = tpu.dynamic_gather %add3A_218[%rev3A_229] in [0] : vector<16xi32>, vector<16xi32> -> vector<16xi32>
      %broadcast_in_dim3A_231 = arith.constant true
      %broadcast_in_dim3A_232 = vector.broadcast %broadcast_in_dim3A_231 : i1 to vector<16xi1>
      %masked_cumsum3A_233 = tpu.scan <sum>, %rev3A_230 masked %broadcast_in_dim3A_232 : vector<16xi32>, vector<16xi1> -> vector<16xi32>
      %rev3A_234 = arith.constant 15 : i32
      %rev3A_235 = vector.broadcast %rev3A_234 : i32 to vector<16xi32>
      %rev3A_236 = tpu.iota {dimensions = array<i32: 0>} : vector<16xi32>
      %rev3A_237 = arith.subi %rev3A_235, %rev3A_236 : vector<16xi32>
      %rev3A_238 = tpu.dynamic_gather %masked_cumsum3A_233[%rev3A_237] in [0] : vector<16xi32>, vector<16xi32> -> vector<16xi32>
      %add3A_239 = vector.broadcast %reduce_sum3A_225 : i32 to vector<16xi32>
      %add3A_240 = arith.addi %rev3A_238, %add3A_239 : vector<16xi32>
      %rev3A_241 = arith.constant 15 : i32
      %rev3A_242 = vector.broadcast %rev3A_241 : i32 to vector<16xi32>
      %rev3A_243 = tpu.iota {dimensions = array<i32: 0>} : vector<16xi32>
      %rev3A_244 = arith.subi %rev3A_242, %rev3A_243 : vector<16xi32>
      %rev3A_245 = tpu.dynamic_gather %add3A_221[%rev3A_244] in [0] : vector<16xi32>, vector<16xi32> -> vector<16xi32>
      %broadcast_in_dim3A_246 = arith.constant true
      %broadcast_in_dim3A_247 = vector.broadcast %broadcast_in_dim3A_246 : i1 to vector<16xi1>
      %masked_cumsum3A_248 = tpu.scan <sum>, %rev3A_245 masked %broadcast_in_dim3A_247 : vector<16xi32>, vector<16xi1> -> vector<16xi32>
      %rev3A_249 = arith.constant 15 : i32
      %rev3A_250 = vector.broadcast %rev3A_249 : i32 to vector<16xi32>
      %rev3A_251 = tpu.iota {dimensions = array<i32: 0>} : vector<16xi32>
      %rev3A_252 = arith.subi %rev3A_250, %rev3A_251 : vector<16xi32>
      %rev3A_253 = tpu.dynamic_gather %masked_cumsum3A_248[%rev3A_252] in [0] : vector<16xi32>, vector<16xi32> -> vector<16xi32>
      %ge3A_254 = arith.cmpi sge, %add3A_240, %sub3A_136 : vector<16xi32>
      %ge3A_255 = arith.cmpi sge, %rev3A_253, %sub3A_136 : vector<16xi32>
      %all_reduce_population_count3A_256 = tpu.all_reduce %ge3A_254 {dim = 0 : i64, kind = #tpu.reduction_kind<sum>} : vector<16xi1> -> vector<16xi32>
      %all_reduce_population_count3A_257 = tpu.all_reduce %ge3A_255 {dim = 0 : i64, kind = #tpu.reduction_kind<sum>} : vector<16xi1> -> vector<16xi32>
      %add3A_258 = arith.addi %all_reduce_population_count3A_256, %all_reduce_population_count3A_257 : vector<16xi32>
      %sub3A_259 = arith.constant 1 : i32
      %sub3A_260 = vector.broadcast %sub3A_259 : i32 to vector<16xi32>
      %sub3A_261 = arith.subi %add3A_258, %sub3A_260 : vector<16xi32>
      %jit3A_262 = arith.constant 0 : i32
      %broadcast_in_dim3A_263 = vector.broadcast %jit3A_262 : i32 to vector<16xi32>
      %select_n3A_264 = arith.select %ge3A_254, %broadcast_in_dim3A_263, %add3A_218 : vector<16xi1>, vector<16xi32>
      %reduce_sum3A_265 = arith.constant true
      %reduce_sum3A_266 = vector.broadcast %reduce_sum3A_265 : i1 to vector<16xi1>
      %reduce_sum3A_267 = tpu.scan <sum>, %select_n3A_264 masked %reduce_sum3A_266 : vector<16xi32>, vector<16xi1> -> vector<16xi32>
      %reduce_sum3A_268 = vector.extract %reduce_sum3A_267[15] : i32 from vector<16xi32>
      %jit3A_269 = arith.constant 0 : i32
      %broadcast_in_dim3A_270 = vector.broadcast %jit3A_269 : i32 to vector<16xi32>
      %select_n3A_271 = arith.select %ge3A_255, %broadcast_in_dim3A_270, %add3A_221 : vector<16xi1>, vector<16xi32>
      %reduce_sum3A_272 = arith.constant true
      %reduce_sum3A_273 = vector.broadcast %reduce_sum3A_272 : i1 to vector<16xi1>
      %reduce_sum3A_274 = tpu.scan <sum>, %select_n3A_271 masked %reduce_sum3A_273 : vector<16xi32>, vector<16xi1> -> vector<16xi32>
      %reduce_sum3A_275 = vector.extract %reduce_sum3A_274[15] : i32 from vector<16xi32>
      %add3A_276 = arith.addi %reduce_sum3A_268, %reduce_sum3A_275 : i32
      %sub3A_277 = vector.broadcast %add3A_276 : i32 to vector<16xi32>
      %sub3A_278 = arith.subi %sub3A_136, %sub3A_277 : vector<16xi32>
      %mul3A_279 = arith.constant 32 : i32
      %mul3A_280 = vector.broadcast %mul3A_279 : i32 to vector<16xi32>
      %mul3A_281 = arith.muli %add3A_140, %mul3A_280 : vector<16xi32>
      %add3A_282 = arith.addi %mul3A_281, %sub3A_261 : vector<16xi32>
      %swap3A_283 = arith.constant 0 : index
      %swap3A_284 = tpu.vector_load %arg5[%swap3A_283] {strides = array<i32>} : memref<256xi32, #tpu.memory_space<vmem>>, vector<16xi32>,
      tpu.vector_store %arg5[%swap3A_283], %broadcast_in_dim3A_5 {strides = array<i32>} : memref<256xi32, #tpu.memory_space<vmem>>, vector<16xi32>,
      %swap3A_285 = arith.constant 16 : index
      %swap3A_286 = tpu.vector_load %arg5[%swap3A_285] {strides = array<i32>} : memref<256xi32, #tpu.memory_space<vmem>>, vector<16xi32>,
      tpu.vector_store %arg5[%swap3A_285], %broadcast_in_dim3A_5 {strides = array<i32>} : memref<256xi32, #tpu.memory_space<vmem>>, vector<16xi32>,
      %swap3A_287 = arith.constant 32 : index
      %swap3A_288 = tpu.vector_load %arg5[%swap3A_287] {strides = array<i32>} : memref<256xi32, #tpu.memory_space<vmem>>, vector<16xi32>,
      tpu.vector_store %arg5[%swap3A_287], %broadcast_in_dim3A_5 {strides = array<i32>} : memref<256xi32, #tpu.memory_space<vmem>>, vector<16xi32>,
      %swap3A_289 = arith.constant 48 : index
      %swap3A_290 = tpu.vector_load %arg5[%swap3A_289] {strides = array<i32>} : memref<256xi32, #tpu.memory_space<vmem>>, vector<16xi32>,
      tpu.vector_store %arg5[%swap3A_289], %broadcast_in_dim3A_5 {strides = array<i32>} : memref<256xi32, #tpu.memory_space<vmem>>, vector<16xi32>,
      %swap3A_291 = arith.constant 64 : index
      %swap3A_292 = tpu.vector_load %arg5[%swap3A_291] {strides = array<i32>} : memref<256xi32, #tpu.memory_space<vmem>>, vector<16xi32>,
      tpu.vector_store %arg5[%swap3A_291], %broadcast_in_dim3A_5 {strides = array<i32>} : memref<256xi32, #tpu.memory_space<vmem>>, vector<16xi32>,
      %swap3A_293 = arith.constant 80 : index
      %swap3A_294 = tpu.vector_load %arg5[%swap3A_293] {strides = array<i32>} : memref<256xi32, #tpu.memory_space<vmem>>, vector<16xi32>,
      tpu.vector_store %arg5[%swap3A_293], %broadcast_in_dim3A_5 {strides = array<i32>} : memref<256xi32, #tpu.memory_space<vmem>>, vector<16xi32>,
      %swap3A_295 = arith.constant 96 : index
      %swap3A_296 = tpu.vector_load %arg5[%swap3A_295] {strides = array<i32>} : memref<256xi32, #tpu.memory_space<vmem>>, vector<16xi32>,
      tpu.vector_store %arg5[%swap3A_295], %broadcast_in_dim3A_5 {strides = array<i32>} : memref<256xi32, #tpu.memory_space<vmem>>, vector<16xi32>,
      %swap3A_297 = arith.constant 112 : index
      %swap3A_298 = tpu.vector_load %arg5[%swap3A_297] {strides = array<i32>} : memref<256xi32, #tpu.memory_space<vmem>>, vector<16xi32>,
      tpu.vector_store %arg5[%swap3A_297], %broadcast_in_dim3A_5 {strides = array<i32>} : memref<256xi32, #tpu.memory_space<vmem>>, vector<16xi32>,
      %swap3A_299 = arith.constant 128 : index
      %swap3A_300 = tpu.vector_load %arg5[%swap3A_299] {strides = array<i32>} : memref<256xi32, #tpu.memory_space<vmem>>, vector<16xi32>,
      tpu.vector_store %arg5[%swap3A_299], %broadcast_in_dim3A_5 {strides = array<i32>} : memref<256xi32, #tpu.memory_space<vmem>>, vector<16xi32>,
      %swap3A_301 = arith.constant 144 : index
      %swap3A_302 = tpu.vector_load %arg5[%swap3A_301] {strides = array<i32>} : memref<256xi32, #tpu.memory_space<vmem>>, vector<16xi32>,
      tpu.vector_store %arg5[%swap3A_301], %broadcast_in_dim3A_5 {strides = array<i32>} : memref<256xi32, #tpu.memory_space<vmem>>, vector<16xi32>,
      %swap3A_303 = arith.constant 160 : index
      %swap3A_304 = tpu.vector_load %arg5[%swap3A_303] {strides = array<i32>} : memref<256xi32, #tpu.memory_space<vmem>>, vector<16xi32>,
      tpu.vector_store %arg5[%swap3A_303], %broadcast_in_dim3A_5 {strides = array<i32>} : memref<256xi32, #tpu.memory_space<vmem>>, vector<16xi32>,
      %swap3A_305 = arith.constant 176 : index
      %swap3A_306 = tpu.vector_load %arg5[%swap3A_305] {strides = array<i32>} : memref<256xi32, #tpu.memory_space<vmem>>, vector<16xi32>,
      tpu.vector_store %arg5[%swap3A_305], %broadcast_in_dim3A_5 {strides = array<i32>} : memref<256xi32, #tpu.memory_space<vmem>>, vector<16xi32>,
      %swap3A_307 = arith.constant 192 : index
      %swap3A_308 = tpu.vector_load %arg5[%swap3A_307] {strides = array<i32>} : memref<256xi32, #tpu.memory_space<vmem>>, vector<16xi32>,
      tpu.vector_store %arg5[%swap3A_307], %broadcast_in_dim3A_5 {strides = array<i32>} : memref<256xi32, #tpu.memory_space<vmem>>, vector<16xi32>,
      %swap3A_309 = arith.constant 208 : index
      %swap3A_310 = tpu.vector_load %arg5[%swap3A_309] {strides = array<i32>} : memref<256xi32, #tpu.memory_space<vmem>>, vector<16xi32>,
      tpu.vector_store %arg5[%swap3A_309], %broadcast_in_dim3A_5 {strides = array<i32>} : memref<256xi32, #tpu.memory_space<vmem>>, vector<16xi32>,
      %swap3A_311 = arith.constant 224 : index
      %swap3A_312 = tpu.vector_load %arg5[%swap3A_311] {strides = array<i32>} : memref<256xi32, #tpu.memory_space<vmem>>, vector<16xi32>,
      tpu.vector_store %arg5[%swap3A_311], %broadcast_in_dim3A_5 {strides = array<i32>} : memref<256xi32, #tpu.memory_space<vmem>>, vector<16xi32>,
      %swap3A_313 = arith.constant 240 : index
      %swap3A_314 = tpu.vector_load %arg5[%swap3A_313] {strides = array<i32>} : memref<256xi32, #tpu.memory_space<vmem>>, vector<16xi32>,
      tpu.vector_store %arg5[%swap3A_313], %broadcast_in_dim3A_5 {strides = array<i32>} : memref<256xi32, #tpu.memory_space<vmem>>, vector<16xi32>,
      %parallel_loop3A_315 = arith.constant 0 : i32
      %parallel_loop3A_316 = arith.constant 512 : i32
      %parallel_loop3A_317 = arith.constant 1 : i32
      scf.for %parallel_loop3A_864 = %parallel_loop3A_315 to %parallel_loop3A_316 step %parallel_loop3A_317  : i32 {
        %parallel_loop3A_865 = arith.constant 16 : i32
        %parallel_loop3A_866 = arith.muli %parallel_loop3A_864, %parallel_loop3A_865 : i32
        %parallel_loop3A_867 = arith.index_cast %parallel_loop3A_866 : i32 to index
        %parallel_loop3A_868 = tpu.vector_load %arg4[%parallel_loop3A_867] {strides = array<i32>} : memref<8192xi32, #tpu.memory_space<vmem>>, vector<16xi32>,
        %parallel_loop3A_869 = arith.constant 788787455 : i32
        %parallel_loop3A_870 = vector.broadcast %parallel_loop3A_869 : i32 to vector<16xi32>
        %parallel_loop3A_871 = arith.subi %parallel_loop3A_868, %parallel_loop3A_870 : vector<16xi32>
        %parallel_loop3A_872 = arith.constant 20 : i32
        %parallel_loop3A_873 = vector.broadcast %parallel_loop3A_872 : i32 to vector<16xi32>
        %parallel_loop3A_874 = arith.shrsi %parallel_loop3A_871, %parallel_loop3A_873 : vector<16xi32>
        %parallel_loop3A_875 = arith.cmpi eq, %parallel_loop3A_874, %add3A_282 : vector<16xi32>
        %parallel_loop3A_876 = arith.constant 15 : i32
        %parallel_loop3A_877 = vector.broadcast %parallel_loop3A_876 : i32 to vector<16xi32>
        %parallel_loop3A_878 = arith.shrsi %parallel_loop3A_871, %parallel_loop3A_877 : vector<16xi32>
        %parallel_loop3A_879 = arith.constant 31 : i32
        %parallel_loop3A_880 = vector.broadcast %parallel_loop3A_879 : i32 to vector<16xi32>
        %parallel_loop3A_881 = arith.andi %parallel_loop3A_878, %parallel_loop3A_880 : vector<16xi32>
        %parallel_loop3A_882 = arith.constant 7 : i32
        %parallel_loop3A_883 = arith.andi %parallel_loop3A_864, %parallel_loop3A_882 : i32
        %parallel_loop3A_884 = arith.constant 32 : i32
        %parallel_loop3A_885 = arith.muli %parallel_loop3A_883, %parallel_loop3A_884 : i32
        %parallel_loop3A_886 = vector.broadcast %parallel_loop3A_885 : i32 to vector<16xi32>
        %parallel_loop3A_887 = arith.addi %parallel_loop3A_881, %parallel_loop3A_886 : vector<16xi32>
        tpu.vector_store_idx %arg5[%parallel_loop3A_887], %broadcast_in_dim3A_3 masked %parallel_loop3A_875 {add = true} : memref<256xi32, #tpu.memory_space<vmem>>[vector<16xi32>], vector<16xi32>, vector<16xi1>
      } {sc.loop_unroll_factor = 8 : i64, sc.parallel_access}
      %get3A_318 = arith.constant 0 : index
      %get3A_319 = tpu.vector_load %arg5[%get3A_318] {strides = array<i32>} : memref<256xi32, #tpu.memory_space<vmem>>, vector<16xi32>,
      %get3A_320 = arith.constant 16 : index
      %get3A_321 = tpu.vector_load %arg5[%get3A_320] {strides = array<i32>} : memref<256xi32, #tpu.memory_space<vmem>>, vector<16xi32>,
      %get3A_322 = arith.constant 32 : index
      %get3A_323 = tpu.vector_load %arg5[%get3A_322] {strides = array<i32>} : memref<256xi32, #tpu.memory_space<vmem>>, vector<16xi32>,
      %add3A_324 = arith.addi %get3A_319, %get3A_323 : vector<16xi32>
      %get3A_325 = arith.constant 48 : index
      %get3A_326 = tpu.vector_load %arg5[%get3A_325] {strides = array<i32>} : memref<256xi32, #tpu.memory_space<vmem>>, vector<16xi32>,
      %add3A_327 = arith.addi %get3A_321, %get3A_326 : vector<16xi32>
      %get3A_328 = arith.constant 64 : index
      %get3A_329 = tpu.vector_load %arg5[%get3A_328] {strides = array<i32>} : memref<256xi32, #tpu.memory_space<vmem>>, vector<16xi32>,
      %add3A_330 = arith.addi %add3A_324, %get3A_329 : vector<16xi32>
      %get3A_331 = arith.constant 80 : index
      %get3A_332 = tpu.vector_load %arg5[%get3A_331] {strides = array<i32>} : memref<256xi32, #tpu.memory_space<vmem>>, vector<16xi32>,
      %add3A_333 = arith.addi %add3A_327, %get3A_332 : vector<16xi32>
      %get3A_334 = arith.constant 96 : index
      %get3A_335 = tpu.vector_load %arg5[%get3A_334] {strides = array<i32>} : memref<256xi32, #tpu.memory_space<vmem>>, vector<16xi32>,
      %add3A_336 = arith.addi %add3A_330, %get3A_335 : vector<16xi32>
      %get3A_337 = arith.constant 112 : index
      %get3A_338 = tpu.vector_load %arg5[%get3A_337] {strides = array<i32>} : memref<256xi32, #tpu.memory_space<vmem>>, vector<16xi32>,
      %add3A_339 = arith.addi %add3A_333, %get3A_338 : vector<16xi32>
      %get3A_340 = arith.constant 128 : index
      %get3A_341 = tpu.vector_load %arg5[%get3A_340] {strides = array<i32>} : memref<256xi32, #tpu.memory_space<vmem>>, vector<16xi32>,
      %add3A_342 = arith.addi %add3A_336, %get3A_341 : vector<16xi32>
      %get3A_343 = arith.constant 144 : index
      %get3A_344 = tpu.vector_load %arg5[%get3A_343] {strides = array<i32>} : memref<256xi32, #tpu.memory_space<vmem>>, vector<16xi32>,
      %add3A_345 = arith.addi %add3A_339, %get3A_344 : vector<16xi32>
      %get3A_346 = arith.constant 160 : index
      %get3A_347 = tpu.vector_load %arg5[%get3A_346] {strides = array<i32>} : memref<256xi32, #tpu.memory_space<vmem>>, vector<16xi32>,
      %add3A_348 = arith.addi %add3A_342, %get3A_347 : vector<16xi32>
      %get3A_349 = arith.constant 176 : index
      %get3A_350 = tpu.vector_load %arg5[%get3A_349] {strides = array<i32>} : memref<256xi32, #tpu.memory_space<vmem>>, vector<16xi32>,
      %add3A_351 = arith.addi %add3A_345, %get3A_350 : vector<16xi32>
      %get3A_352 = arith.constant 192 : index
      %get3A_353 = tpu.vector_load %arg5[%get3A_352] {strides = array<i32>} : memref<256xi32, #tpu.memory_space<vmem>>, vector<16xi32>,
      %add3A_354 = arith.addi %add3A_348, %get3A_353 : vector<16xi32>
      %get3A_355 = arith.constant 208 : index
      %get3A_356 = tpu.vector_load %arg5[%get3A_355] {strides = array<i32>} : memref<256xi32, #tpu.memory_space<vmem>>, vector<16xi32>,
      %add3A_357 = arith.addi %add3A_351, %get3A_356 : vector<16xi32>
      %get3A_358 = arith.constant 224 : index
      %get3A_359 = tpu.vector_load %arg5[%get3A_358] {strides = array<i32>} : memref<256xi32, #tpu.memory_space<vmem>>, vector<16xi32>,
      %add3A_360 = arith.addi %add3A_354, %get3A_359 : vector<16xi32>
      %get3A_361 = arith.constant 240 : index
      %get3A_362 = tpu.vector_load %arg5[%get3A_361] {strides = array<i32>} : memref<256xi32, #tpu.memory_space<vmem>>, vector<16xi32>,
      %add3A_363 = arith.addi %add3A_357, %get3A_362 : vector<16xi32>
      %reduce_sum3A_364 = arith.constant true
      %reduce_sum3A_365 = vector.broadcast %reduce_sum3A_364 : i1 to vector<16xi1>
      %reduce_sum3A_366 = tpu.scan <sum>, %add3A_363 masked %reduce_sum3A_365 : vector<16xi32>, vector<16xi1> -> vector<16xi32>
      %reduce_sum3A_367 = vector.extract %reduce_sum3A_366[15] : i32 from vector<16xi32>
      %rev3A_368 = arith.constant 15 : i32
      %rev3A_369 = vector.broadcast %rev3A_368 : i32 to vector<16xi32>
      %rev3A_370 = tpu.iota {dimensions = array<i32: 0>} : vector<16xi32>
      %rev3A_371 = arith.subi %rev3A_369, %rev3A_370 : vector<16xi32>
      %rev3A_372 = tpu.dynamic_gather %add3A_360[%rev3A_371] in [0] : vector<16xi32>, vector<16xi32> -> vector<16xi32>
      %broadcast_in_dim3A_373 = arith.constant true
      %broadcast_in_dim3A_374 = vector.broadcast %broadcast_in_dim3A_373 : i1 to vector<16xi1>
      %masked_cumsum3A_375 = tpu.scan <sum>, %rev3A_372 masked %broadcast_in_dim3A_374 : vector<16xi32>, vector<16xi1> -> vector<16xi32>
      %rev3A_376 = arith.constant 15 : i32
      %rev3A_377 = vector.broadcast %rev3A_376 : i32 to vector<16xi32>
      %rev3A_378 = tpu.iota {dimensions = array<i32: 0>} : vector<16xi32>
      %rev3A_379 = arith.subi %rev3A_377, %rev3A_378 : vector<16xi32>
      %rev3A_380 = tpu.dynamic_gather %masked_cumsum3A_375[%rev3A_379] in [0] : vector<16xi32>, vector<16xi32> -> vector<16xi32>
      %add3A_381 = vector.broadcast %reduce_sum3A_367 : i32 to vector<16xi32>
      %add3A_382 = arith.addi %rev3A_380, %add3A_381 : vector<16xi32>
      %rev3A_383 = arith.constant 15 : i32
      %rev3A_384 = vector.broadcast %rev3A_383 : i32 to vector<16xi32>
      %rev3A_385 = tpu.iota {dimensions = array<i32: 0>} : vector<16xi32>
      %rev3A_386 = arith.subi %rev3A_384, %rev3A_385 : vector<16xi32>
      %rev3A_387 = tpu.dynamic_gather %add3A_363[%rev3A_386] in [0] : vector<16xi32>, vector<16xi32> -> vector<16xi32>
      %broadcast_in_dim3A_388 = arith.constant true
      %broadcast_in_dim3A_389 = vector.broadcast %broadcast_in_dim3A_388 : i1 to vector<16xi1>
      %masked_cumsum3A_390 = tpu.scan <sum>, %rev3A_387 masked %broadcast_in_dim3A_389 : vector<16xi32>, vector<16xi1> -> vector<16xi32>
      %rev3A_391 = arith.constant 15 : i32
      %rev3A_392 = vector.broadcast %rev3A_391 : i32 to vector<16xi32>
      %rev3A_393 = tpu.iota {dimensions = array<i32: 0>} : vector<16xi32>
      %rev3A_394 = arith.subi %rev3A_392, %rev3A_393 : vector<16xi32>
      %rev3A_395 = tpu.dynamic_gather %masked_cumsum3A_390[%rev3A_394] in [0] : vector<16xi32>, vector<16xi32> -> vector<16xi32>
      %ge3A_396 = arith.cmpi sge, %add3A_382, %sub3A_278 : vector<16xi32>
      %ge3A_397 = arith.cmpi sge, %rev3A_395, %sub3A_278 : vector<16xi32>
      %all_reduce_population_count3A_398 = tpu.all_reduce %ge3A_396 {dim = 0 : i64, kind = #tpu.reduction_kind<sum>} : vector<16xi1> -> vector<16xi32>
      %all_reduce_population_count3A_399 = tpu.all_reduce %ge3A_397 {dim = 0 : i64, kind = #tpu.reduction_kind<sum>} : vector<16xi1> -> vector<16xi32>
      %add3A_400 = arith.addi %all_reduce_population_count3A_398, %all_reduce_population_count3A_399 : vector<16xi32>
      %sub3A_401 = arith.constant 1 : i32
      %sub3A_402 = vector.broadcast %sub3A_401 : i32 to vector<16xi32>
      %sub3A_403 = arith.subi %add3A_400, %sub3A_402 : vector<16xi32>
      %jit3A_404 = arith.constant 0 : i32
      %broadcast_in_dim3A_405 = vector.broadcast %jit3A_404 : i32 to vector<16xi32>
      %select_n3A_406 = arith.select %ge3A_396, %broadcast_in_dim3A_405, %add3A_360 : vector<16xi1>, vector<16xi32>
      %reduce_sum3A_407 = arith.constant true
      %reduce_sum3A_408 = vector.broadcast %reduce_sum3A_407 : i1 to vector<16xi1>
      %reduce_sum3A_409 = tpu.scan <sum>, %select_n3A_406 masked %reduce_sum3A_408 : vector<16xi32>, vector<16xi1> -> vector<16xi32>
      %reduce_sum3A_410 = vector.extract %reduce_sum3A_409[15] : i32 from vector<16xi32>
      %jit3A_411 = arith.constant 0 : i32
      %broadcast_in_dim3A_412 = vector.broadcast %jit3A_411 : i32 to vector<16xi32>
      %select_n3A_413 = arith.select %ge3A_397, %broadcast_in_dim3A_412, %add3A_363 : vector<16xi1>, vector<16xi32>
      %reduce_sum3A_414 = arith.constant true
      %reduce_sum3A_415 = vector.broadcast %reduce_sum3A_414 : i1 to vector<16xi1>
      %reduce_sum3A_416 = tpu.scan <sum>, %select_n3A_413 masked %reduce_sum3A_415 : vector<16xi32>, vector<16xi1> -> vector<16xi32>
      %reduce_sum3A_417 = vector.extract %reduce_sum3A_416[15] : i32 from vector<16xi32>
      %add3A_418 = arith.addi %reduce_sum3A_410, %reduce_sum3A_417 : i32
      %sub3A_419 = vector.broadcast %add3A_418 : i32 to vector<16xi32>
      %sub3A_420 = arith.subi %sub3A_278, %sub3A_419 : vector<16xi32>
      %mul3A_421 = arith.constant 32 : i32
      %mul3A_422 = vector.broadcast %mul3A_421 : i32 to vector<16xi32>
      %mul3A_423 = arith.muli %add3A_282, %mul3A_422 : vector<16xi32>
      %add3A_424 = arith.addi %mul3A_423, %sub3A_403 : vector<16xi32>
      %swap3A_425 = arith.constant 0 : index
      %swap3A_426 = tpu.vector_load %arg5[%swap3A_425] {strides = array<i32>} : memref<256xi32, #tpu.memory_space<vmem>>, vector<16xi32>,
      tpu.vector_store %arg5[%swap3A_425], %broadcast_in_dim3A_5 {strides = array<i32>} : memref<256xi32, #tpu.memory_space<vmem>>, vector<16xi32>,
      %swap3A_427 = arith.constant 16 : index
      %swap3A_428 = tpu.vector_load %arg5[%swap3A_427] {strides = array<i32>} : memref<256xi32, #tpu.memory_space<vmem>>, vector<16xi32>,
      tpu.vector_store %arg5[%swap3A_427], %broadcast_in_dim3A_5 {strides = array<i32>} : memref<256xi32, #tpu.memory_space<vmem>>, vector<16xi32>,
      %swap3A_429 = arith.constant 32 : index
      %swap3A_430 = tpu.vector_load %arg5[%swap3A_429] {strides = array<i32>} : memref<256xi32, #tpu.memory_space<vmem>>, vector<16xi32>,
      tpu.vector_store %arg5[%swap3A_429], %broadcast_in_dim3A_5 {strides = array<i32>} : memref<256xi32, #tpu.memory_space<vmem>>, vector<16xi32>,
      %swap3A_431 = arith.constant 48 : index
      %swap3A_432 = tpu.vector_load %arg5[%swap3A_431] {strides = array<i32>} : memref<256xi32, #tpu.memory_space<vmem>>, vector<16xi32>,
      tpu.vector_store %arg5[%swap3A_431], %broadcast_in_dim3A_5 {strides = array<i32>} : memref<256xi32, #tpu.memory_space<vmem>>, vector<16xi32>,
      %swap3A_433 = arith.constant 64 : index
      %swap3A_434 = tpu.vector_load %arg5[%swap3A_433] {strides = array<i32>} : memref<256xi32, #tpu.memory_space<vmem>>, vector<16xi32>,
      tpu.vector_store %arg5[%swap3A_433], %broadcast_in_dim3A_5 {strides = array<i32>} : memref<256xi32, #tpu.memory_space<vmem>>, vector<16xi32>,
      %swap3A_435 = arith.constant 80 : index
      %swap3A_436 = tpu.vector_load %arg5[%swap3A_435] {strides = array<i32>} : memref<256xi32, #tpu.memory_space<vmem>>, vector<16xi32>,
      tpu.vector_store %arg5[%swap3A_435], %broadcast_in_dim3A_5 {strides = array<i32>} : memref<256xi32, #tpu.memory_space<vmem>>, vector<16xi32>,
      %swap3A_437 = arith.constant 96 : index
      %swap3A_438 = tpu.vector_load %arg5[%swap3A_437] {strides = array<i32>} : memref<256xi32, #tpu.memory_space<vmem>>, vector<16xi32>,
      tpu.vector_store %arg5[%swap3A_437], %broadcast_in_dim3A_5 {strides = array<i32>} : memref<256xi32, #tpu.memory_space<vmem>>, vector<16xi32>,
      %swap3A_439 = arith.constant 112 : index
      %swap3A_440 = tpu.vector_load %arg5[%swap3A_439] {strides = array<i32>} : memref<256xi32, #tpu.memory_space<vmem>>, vector<16xi32>,
      tpu.vector_store %arg5[%swap3A_439], %broadcast_in_dim3A_5 {strides = array<i32>} : memref<256xi32, #tpu.memory_space<vmem>>, vector<16xi32>,
      %swap3A_441 = arith.constant 128 : index
      %swap3A_442 = tpu.vector_load %arg5[%swap3A_441] {strides = array<i32>} : memref<256xi32, #tpu.memory_space<vmem>>, vector<16xi32>,
      tpu.vector_store %arg5[%swap3A_441], %broadcast_in_dim3A_5 {strides = array<i32>} : memref<256xi32, #tpu.memory_space<vmem>>, vector<16xi32>,
      %swap3A_443 = arith.constant 144 : index
      %swap3A_444 = tpu.vector_load %arg5[%swap3A_443] {strides = array<i32>} : memref<256xi32, #tpu.memory_space<vmem>>, vector<16xi32>,
      tpu.vector_store %arg5[%swap3A_443], %broadcast_in_dim3A_5 {strides = array<i32>} : memref<256xi32, #tpu.memory_space<vmem>>, vector<16xi32>,
      %swap3A_445 = arith.constant 160 : index
      %swap3A_446 = tpu.vector_load %arg5[%swap3A_445] {strides = array<i32>} : memref<256xi32, #tpu.memory_space<vmem>>, vector<16xi32>,
      tpu.vector_store %arg5[%swap3A_445], %broadcast_in_dim3A_5 {strides = array<i32>} : memref<256xi32, #tpu.memory_space<vmem>>, vector<16xi32>,
      %swap3A_447 = arith.constant 176 : index
      %swap3A_448 = tpu.vector_load %arg5[%swap3A_447] {strides = array<i32>} : memref<256xi32, #tpu.memory_space<vmem>>, vector<16xi32>,
      tpu.vector_store %arg5[%swap3A_447], %broadcast_in_dim3A_5 {strides = array<i32>} : memref<256xi32, #tpu.memory_space<vmem>>, vector<16xi32>,
      %swap3A_449 = arith.constant 192 : index
      %swap3A_450 = tpu.vector_load %arg5[%swap3A_449] {strides = array<i32>} : memref<256xi32, #tpu.memory_space<vmem>>, vector<16xi32>,
      tpu.vector_store %arg5[%swap3A_449], %broadcast_in_dim3A_5 {strides = array<i32>} : memref<256xi32, #tpu.memory_space<vmem>>, vector<16xi32>,
      %swap3A_451 = arith.constant 208 : index
      %swap3A_452 = tpu.vector_load %arg5[%swap3A_451] {strides = array<i32>} : memref<256xi32, #tpu.memory_space<vmem>>, vector<16xi32>,
      tpu.vector_store %arg5[%swap3A_451], %broadcast_in_dim3A_5 {strides = array<i32>} : memref<256xi32, #tpu.memory_space<vmem>>, vector<16xi32>,
      %swap3A_453 = arith.constant 224 : index
      %swap3A_454 = tpu.vector_load %arg5[%swap3A_453] {strides = array<i32>} : memref<256xi32, #tpu.memory_space<vmem>>, vector<16xi32>,
      tpu.vector_store %arg5[%swap3A_453], %broadcast_in_dim3A_5 {strides = array<i32>} : memref<256xi32, #tpu.memory_space<vmem>>, vector<16xi32>,
      %swap3A_455 = arith.constant 240 : index
      %swap3A_456 = tpu.vector_load %arg5[%swap3A_455] {strides = array<i32>} : memref<256xi32, #tpu.memory_space<vmem>>, vector<16xi32>,
      tpu.vector_store %arg5[%swap3A_455], %broadcast_in_dim3A_5 {strides = array<i32>} : memref<256xi32, #tpu.memory_space<vmem>>, vector<16xi32>,
      %parallel_loop3A_457 = arith.constant 0 : i32
      %parallel_loop3A_458 = arith.constant 512 : i32
      %parallel_loop3A_459 = arith.constant 1 : i32
      scf.for %parallel_loop3A_864 = %parallel_loop3A_457 to %parallel_loop3A_458 step %parallel_loop3A_459  : i32 {
        %parallel_loop3A_865 = arith.constant 16 : i32
        %parallel_loop3A_866 = arith.muli %parallel_loop3A_864, %parallel_loop3A_865 : i32
        %parallel_loop3A_867 = arith.index_cast %parallel_loop3A_866 : i32 to index
        %parallel_loop3A_868 = tpu.vector_load %arg4[%parallel_loop3A_867] {strides = array<i32>} : memref<8192xi32, #tpu.memory_space<vmem>>, vector<16xi32>,
        %parallel_loop3A_869 = arith.constant 788787455 : i32
        %parallel_loop3A_870 = vector.broadcast %parallel_loop3A_869 : i32 to vector<16xi32>
        %parallel_loop3A_871 = arith.subi %parallel_loop3A_868, %parallel_loop3A_870 : vector<16xi32>
        %parallel_loop3A_872 = arith.constant 15 : i32
        %parallel_loop3A_873 = vector.broadcast %parallel_loop3A_872 : i32 to vector<16xi32>
        %parallel_loop3A_874 = arith.shrsi %parallel_loop3A_871, %parallel_loop3A_873 : vector<16xi32>
        %parallel_loop3A_875 = arith.cmpi eq, %parallel_loop3A_874, %add3A_424 : vector<16xi32>
        %parallel_loop3A_876 = arith.constant 10 : i32
        %parallel_loop3A_877 = vector.broadcast %parallel_loop3A_876 : i32 to vector<16xi32>
        %parallel_loop3A_878 = arith.shrsi %parallel_loop3A_871, %parallel_loop3A_877 : vector<16xi32>
        %parallel_loop3A_879 = arith.constant 31 : i32
        %parallel_loop3A_880 = vector.broadcast %parallel_loop3A_879 : i32 to vector<16xi32>
        %parallel_loop3A_881 = arith.andi %parallel_loop3A_878, %parallel_loop3A_880 : vector<16xi32>
        %parallel_loop3A_882 = arith.constant 7 : i32
        %parallel_loop3A_883 = arith.andi %parallel_loop3A_864, %parallel_loop3A_882 : i32
        %parallel_loop3A_884 = arith.constant 32 : i32
        %parallel_loop3A_885 = arith.muli %parallel_loop3A_883, %parallel_loop3A_884 : i32
        %parallel_loop3A_886 = vector.broadcast %parallel_loop3A_885 : i32 to vector<16xi32>
        %parallel_loop3A_887 = arith.addi %parallel_loop3A_881, %parallel_loop3A_886 : vector<16xi32>
        tpu.vector_store_idx %arg5[%parallel_loop3A_887], %broadcast_in_dim3A_3 masked %parallel_loop3A_875 {add = true} : memref<256xi32, #tpu.memory_space<vmem>>[vector<16xi32>], vector<16xi32>, vector<16xi1>
      } {sc.loop_unroll_factor = 8 : i64, sc.parallel_access}
      %get3A_460 = arith.constant 0 : index
      %get3A_461 = tpu.vector_load %arg5[%get3A_460] {strides = array<i32>} : memref<256xi32, #tpu.memory_space<vmem>>, vector<16xi32>,
      %get3A_462 = arith.constant 16 : index
      %get3A_463 = tpu.vector_load %arg5[%get3A_462] {strides = array<i32>} : memref<256xi32, #tpu.memory_space<vmem>>, vector<16xi32>,
      %get3A_464 = arith.constant 32 : index
      %get3A_465 = tpu.vector_load %arg5[%get3A_464] {strides = array<i32>} : memref<256xi32, #tpu.memory_space<vmem>>, vector<16xi32>,
      %add3A_466 = arith.addi %get3A_461, %get3A_465 : vector<16xi32>
      %get3A_467 = arith.constant 48 : index
      %get3A_468 = tpu.vector_load %arg5[%get3A_467] {strides = array<i32>} : memref<256xi32, #tpu.memory_space<vmem>>, vector<16xi32>,
      %add3A_469 = arith.addi %get3A_463, %get3A_468 : vector<16xi32>
      %get3A_470 = arith.constant 64 : index
      %get3A_471 = tpu.vector_load %arg5[%get3A_470] {strides = array<i32>} : memref<256xi32, #tpu.memory_space<vmem>>, vector<16xi32>,
      %add3A_472 = arith.addi %add3A_466, %get3A_471 : vector<16xi32>
      %get3A_473 = arith.constant 80 : index
      %get3A_474 = tpu.vector_load %arg5[%get3A_473] {strides = array<i32>} : memref<256xi32, #tpu.memory_space<vmem>>, vector<16xi32>,
      %add3A_475 = arith.addi %add3A_469, %get3A_474 : vector<16xi32>
      %get3A_476 = arith.constant 96 : index
      %get3A_477 = tpu.vector_load %arg5[%get3A_476] {strides = array<i32>} : memref<256xi32, #tpu.memory_space<vmem>>, vector<16xi32>,
      %add3A_478 = arith.addi %add3A_472, %get3A_477 : vector<16xi32>
      %get3A_479 = arith.constant 112 : index
      %get3A_480 = tpu.vector_load %arg5[%get3A_479] {strides = array<i32>} : memref<256xi32, #tpu.memory_space<vmem>>, vector<16xi32>,
      %add3A_481 = arith.addi %add3A_475, %get3A_480 : vector<16xi32>
      %get3A_482 = arith.constant 128 : index
      %get3A_483 = tpu.vector_load %arg5[%get3A_482] {strides = array<i32>} : memref<256xi32, #tpu.memory_space<vmem>>, vector<16xi32>,
      %add3A_484 = arith.addi %add3A_478, %get3A_483 : vector<16xi32>
      %get3A_485 = arith.constant 144 : index
      %get3A_486 = tpu.vector_load %arg5[%get3A_485] {strides = array<i32>} : memref<256xi32, #tpu.memory_space<vmem>>, vector<16xi32>,
      %add3A_487 = arith.addi %add3A_481, %get3A_486 : vector<16xi32>
      %get3A_488 = arith.constant 160 : index
      %get3A_489 = tpu.vector_load %arg5[%get3A_488] {strides = array<i32>} : memref<256xi32, #tpu.memory_space<vmem>>, vector<16xi32>,
      %add3A_490 = arith.addi %add3A_484, %get3A_489 : vector<16xi32>
      %get3A_491 = arith.constant 176 : index
      %get3A_492 = tpu.vector_load %arg5[%get3A_491] {strides = array<i32>} : memref<256xi32, #tpu.memory_space<vmem>>, vector<16xi32>,
      %add3A_493 = arith.addi %add3A_487, %get3A_492 : vector<16xi32>
      %get3A_494 = arith.constant 192 : index
      %get3A_495 = tpu.vector_load %arg5[%get3A_494] {strides = array<i32>} : memref<256xi32, #tpu.memory_space<vmem>>, vector<16xi32>,
      %add3A_496 = arith.addi %add3A_490, %get3A_495 : vector<16xi32>
      %get3A_497 = arith.constant 208 : index
      %get3A_498 = tpu.vector_load %arg5[%get3A_497] {strides = array<i32>} : memref<256xi32, #tpu.memory_space<vmem>>, vector<16xi32>,
      %add3A_499 = arith.addi %add3A_493, %get3A_498 : vector<16xi32>
      %get3A_500 = arith.constant 224 : index
      %get3A_501 = tpu.vector_load %arg5[%get3A_500] {strides = array<i32>} : memref<256xi32, #tpu.memory_space<vmem>>, vector<16xi32>,
      %add3A_502 = arith.addi %add3A_496, %get3A_501 : vector<16xi32>
      %get3A_503 = arith.constant 240 : index
      %get3A_504 = tpu.vector_load %arg5[%get3A_503] {strides = array<i32>} : memref<256xi32, #tpu.memory_space<vmem>>, vector<16xi32>,
      %add3A_505 = arith.addi %add3A_499, %get3A_504 : vector<16xi32>
      %reduce_sum3A_506 = arith.constant true
      %reduce_sum3A_507 = vector.broadcast %reduce_sum3A_506 : i1 to vector<16xi1>
      %reduce_sum3A_508 = tpu.scan <sum>, %add3A_505 masked %reduce_sum3A_507 : vector<16xi32>, vector<16xi1> -> vector<16xi32>
      %reduce_sum3A_509 = vector.extract %reduce_sum3A_508[15] : i32 from vector<16xi32>
      %rev3A_510 = arith.constant 15 : i32
      %rev3A_511 = vector.broadcast %rev3A_510 : i32 to vector<16xi32>
      %rev3A_512 = tpu.iota {dimensions = array<i32: 0>} : vector<16xi32>
      %rev3A_513 = arith.subi %rev3A_511, %rev3A_512 : vector<16xi32>
      %rev3A_514 = tpu.dynamic_gather %add3A_502[%rev3A_513] in [0] : vector<16xi32>, vector<16xi32> -> vector<16xi32>
      %broadcast_in_dim3A_515 = arith.constant true
      %broadcast_in_dim3A_516 = vector.broadcast %broadcast_in_dim3A_515 : i1 to vector<16xi1>
      %masked_cumsum3A_517 = tpu.scan <sum>, %rev3A_514 masked %broadcast_in_dim3A_516 : vector<16xi32>, vector<16xi1> -> vector<16xi32>
      %rev3A_518 = arith.constant 15 : i32
      %rev3A_519 = vector.broadcast %rev3A_518 : i32 to vector<16xi32>
      %rev3A_520 = tpu.iota {dimensions = array<i32: 0>} : vector<16xi32>
      %rev3A_521 = arith.subi %rev3A_519, %rev3A_520 : vector<16xi32>
      %rev3A_522 = tpu.dynamic_gather %masked_cumsum3A_517[%rev3A_521] in [0] : vector<16xi32>, vector<16xi32> -> vector<16xi32>
      %add3A_523 = vector.broadcast %reduce_sum3A_509 : i32 to vector<16xi32>
      %add3A_524 = arith.addi %rev3A_522, %add3A_523 : vector<16xi32>
      %rev3A_525 = arith.constant 15 : i32
      %rev3A_526 = vector.broadcast %rev3A_525 : i32 to vector<16xi32>
      %rev3A_527 = tpu.iota {dimensions = array<i32: 0>} : vector<16xi32>
      %rev3A_528 = arith.subi %rev3A_526, %rev3A_527 : vector<16xi32>
      %rev3A_529 = tpu.dynamic_gather %add3A_505[%rev3A_528] in [0] : vector<16xi32>, vector<16xi32> -> vector<16xi32>
      %broadcast_in_dim3A_530 = arith.constant true
      %broadcast_in_dim3A_531 = vector.broadcast %broadcast_in_dim3A_530 : i1 to vector<16xi1>
      %masked_cumsum3A_532 = tpu.scan <sum>, %rev3A_529 masked %broadcast_in_dim3A_531 : vector<16xi32>, vector<16xi1> -> vector<16xi32>
      %rev3A_533 = arith.constant 15 : i32
      %rev3A_534 = vector.broadcast %rev3A_533 : i32 to vector<16xi32>
      %rev3A_535 = tpu.iota {dimensions = array<i32: 0>} : vector<16xi32>
      %rev3A_536 = arith.subi %rev3A_534, %rev3A_535 : vector<16xi32>
      %rev3A_537 = tpu.dynamic_gather %masked_cumsum3A_532[%rev3A_536] in [0] : vector<16xi32>, vector<16xi32> -> vector<16xi32>
      %ge3A_538 = arith.cmpi sge, %add3A_524, %sub3A_420 : vector<16xi32>
      %ge3A_539 = arith.cmpi sge, %rev3A_537, %sub3A_420 : vector<16xi32>
      %all_reduce_population_count3A_540 = tpu.all_reduce %ge3A_538 {dim = 0 : i64, kind = #tpu.reduction_kind<sum>} : vector<16xi1> -> vector<16xi32>
      %all_reduce_population_count3A_541 = tpu.all_reduce %ge3A_539 {dim = 0 : i64, kind = #tpu.reduction_kind<sum>} : vector<16xi1> -> vector<16xi32>
      %add3A_542 = arith.addi %all_reduce_population_count3A_540, %all_reduce_population_count3A_541 : vector<16xi32>
      %sub3A_543 = arith.constant 1 : i32
      %sub3A_544 = vector.broadcast %sub3A_543 : i32 to vector<16xi32>
      %sub3A_545 = arith.subi %add3A_542, %sub3A_544 : vector<16xi32>
      %jit3A_546 = arith.constant 0 : i32
      %broadcast_in_dim3A_547 = vector.broadcast %jit3A_546 : i32 to vector<16xi32>
      %select_n3A_548 = arith.select %ge3A_538, %broadcast_in_dim3A_547, %add3A_502 : vector<16xi1>, vector<16xi32>
      %reduce_sum3A_549 = arith.constant true
      %reduce_sum3A_550 = vector.broadcast %reduce_sum3A_549 : i1 to vector<16xi1>
      %reduce_sum3A_551 = tpu.scan <sum>, %select_n3A_548 masked %reduce_sum3A_550 : vector<16xi32>, vector<16xi1> -> vector<16xi32>
      %reduce_sum3A_552 = vector.extract %reduce_sum3A_551[15] : i32 from vector<16xi32>
      %jit3A_553 = arith.constant 0 : i32
      %broadcast_in_dim3A_554 = vector.broadcast %jit3A_553 : i32 to vector<16xi32>
      %select_n3A_555 = arith.select %ge3A_539, %broadcast_in_dim3A_554, %add3A_505 : vector<16xi1>, vector<16xi32>
      %reduce_sum3A_556 = arith.constant true
      %reduce_sum3A_557 = vector.broadcast %reduce_sum3A_556 : i1 to vector<16xi1>
      %reduce_sum3A_558 = tpu.scan <sum>, %select_n3A_555 masked %reduce_sum3A_557 : vector<16xi32>, vector<16xi1> -> vector<16xi32>
      %reduce_sum3A_559 = vector.extract %reduce_sum3A_558[15] : i32 from vector<16xi32>
      %add3A_560 = arith.addi %reduce_sum3A_552, %reduce_sum3A_559 : i32
      %sub3A_561 = vector.broadcast %add3A_560 : i32 to vector<16xi32>
      %sub3A_562 = arith.subi %sub3A_420, %sub3A_561 : vector<16xi32>
      %mul3A_563 = arith.constant 32 : i32
      %mul3A_564 = vector.broadcast %mul3A_563 : i32 to vector<16xi32>
      %mul3A_565 = arith.muli %add3A_424, %mul3A_564 : vector<16xi32>
      %add3A_566 = arith.addi %mul3A_565, %sub3A_545 : vector<16xi32>
      %swap3A_567 = arith.constant 0 : index
      %swap3A_568 = tpu.vector_load %arg5[%swap3A_567] {strides = array<i32>} : memref<256xi32, #tpu.memory_space<vmem>>, vector<16xi32>,
      tpu.vector_store %arg5[%swap3A_567], %broadcast_in_dim3A_5 {strides = array<i32>} : memref<256xi32, #tpu.memory_space<vmem>>, vector<16xi32>,
      %swap3A_569 = arith.constant 16 : index
      %swap3A_570 = tpu.vector_load %arg5[%swap3A_569] {strides = array<i32>} : memref<256xi32, #tpu.memory_space<vmem>>, vector<16xi32>,
      tpu.vector_store %arg5[%swap3A_569], %broadcast_in_dim3A_5 {strides = array<i32>} : memref<256xi32, #tpu.memory_space<vmem>>, vector<16xi32>,
      %swap3A_571 = arith.constant 32 : index
      %swap3A_572 = tpu.vector_load %arg5[%swap3A_571] {strides = array<i32>} : memref<256xi32, #tpu.memory_space<vmem>>, vector<16xi32>,
      tpu.vector_store %arg5[%swap3A_571], %broadcast_in_dim3A_5 {strides = array<i32>} : memref<256xi32, #tpu.memory_space<vmem>>, vector<16xi32>,
      %swap3A_573 = arith.constant 48 : index
      %swap3A_574 = tpu.vector_load %arg5[%swap3A_573] {strides = array<i32>} : memref<256xi32, #tpu.memory_space<vmem>>, vector<16xi32>,
      tpu.vector_store %arg5[%swap3A_573], %broadcast_in_dim3A_5 {strides = array<i32>} : memref<256xi32, #tpu.memory_space<vmem>>, vector<16xi32>,
      %swap3A_575 = arith.constant 64 : index
      %swap3A_576 = tpu.vector_load %arg5[%swap3A_575] {strides = array<i32>} : memref<256xi32, #tpu.memory_space<vmem>>, vector<16xi32>,
      tpu.vector_store %arg5[%swap3A_575], %broadcast_in_dim3A_5 {strides = array<i32>} : memref<256xi32, #tpu.memory_space<vmem>>, vector<16xi32>,
      %swap3A_577 = arith.constant 80 : index
      %swap3A_578 = tpu.vector_load %arg5[%swap3A_577] {strides = array<i32>} : memref<256xi32, #tpu.memory_space<vmem>>, vector<16xi32>,
      tpu.vector_store %arg5[%swap3A_577], %broadcast_in_dim3A_5 {strides = array<i32>} : memref<256xi32, #tpu.memory_space<vmem>>, vector<16xi32>,
      %swap3A_579 = arith.constant 96 : index
      %swap3A_580 = tpu.vector_load %arg5[%swap3A_579] {strides = array<i32>} : memref<256xi32, #tpu.memory_space<vmem>>, vector<16xi32>,
      tpu.vector_store %arg5[%swap3A_579], %broadcast_in_dim3A_5 {strides = array<i32>} : memref<256xi32, #tpu.memory_space<vmem>>, vector<16xi32>,
      %swap3A_581 = arith.constant 112 : index
      %swap3A_582 = tpu.vector_load %arg5[%swap3A_581] {strides = array<i32>} : memref<256xi32, #tpu.memory_space<vmem>>, vector<16xi32>,
      tpu.vector_store %arg5[%swap3A_581], %broadcast_in_dim3A_5 {strides = array<i32>} : memref<256xi32, #tpu.memory_space<vmem>>, vector<16xi32>,
      %swap3A_583 = arith.constant 128 : index
      %swap3A_584 = tpu.vector_load %arg5[%swap3A_583] {strides = array<i32>} : memref<256xi32, #tpu.memory_space<vmem>>, vector<16xi32>,
      tpu.vector_store %arg5[%swap3A_583], %broadcast_in_dim3A_5 {strides = array<i32>} : memref<256xi32, #tpu.memory_space<vmem>>, vector<16xi32>,
      %swap3A_585 = arith.constant 144 : index
      %swap3A_586 = tpu.vector_load %arg5[%swap3A_585] {strides = array<i32>} : memref<256xi32, #tpu.memory_space<vmem>>, vector<16xi32>,
      tpu.vector_store %arg5[%swap3A_585], %broadcast_in_dim3A_5 {strides = array<i32>} : memref<256xi32, #tpu.memory_space<vmem>>, vector<16xi32>,
      %swap3A_587 = arith.constant 160 : index
      %swap3A_588 = tpu.vector_load %arg5[%swap3A_587] {strides = array<i32>} : memref<256xi32, #tpu.memory_space<vmem>>, vector<16xi32>,
      tpu.vector_store %arg5[%swap3A_587], %broadcast_in_dim3A_5 {strides = array<i32>} : memref<256xi32, #tpu.memory_space<vmem>>, vector<16xi32>,
      %swap3A_589 = arith.constant 176 : index
      %swap3A_590 = tpu.vector_load %arg5[%swap3A_589] {strides = array<i32>} : memref<256xi32, #tpu.memory_space<vmem>>, vector<16xi32>,
      tpu.vector_store %arg5[%swap3A_589], %broadcast_in_dim3A_5 {strides = array<i32>} : memref<256xi32, #tpu.memory_space<vmem>>, vector<16xi32>,
      %swap3A_591 = arith.constant 192 : index
      %swap3A_592 = tpu.vector_load %arg5[%swap3A_591] {strides = array<i32>} : memref<256xi32, #tpu.memory_space<vmem>>, vector<16xi32>,
      tpu.vector_store %arg5[%swap3A_591], %broadcast_in_dim3A_5 {strides = array<i32>} : memref<256xi32, #tpu.memory_space<vmem>>, vector<16xi32>,
      %swap3A_593 = arith.constant 208 : index
      %swap3A_594 = tpu.vector_load %arg5[%swap3A_593] {strides = array<i32>} : memref<256xi32, #tpu.memory_space<vmem>>, vector<16xi32>,
      tpu.vector_store %arg5[%swap3A_593], %broadcast_in_dim3A_5 {strides = array<i32>} : memref<256xi32, #tpu.memory_space<vmem>>, vector<16xi32>,
      %swap3A_595 = arith.constant 224 : index
      %swap3A_596 = tpu.vector_load %arg5[%swap3A_595] {strides = array<i32>} : memref<256xi32, #tpu.memory_space<vmem>>, vector<16xi32>,
      tpu.vector_store %arg5[%swap3A_595], %broadcast_in_dim3A_5 {strides = array<i32>} : memref<256xi32, #tpu.memory_space<vmem>>, vector<16xi32>,
      %swap3A_597 = arith.constant 240 : index
      %swap3A_598 = tpu.vector_load %arg5[%swap3A_597] {strides = array<i32>} : memref<256xi32, #tpu.memory_space<vmem>>, vector<16xi32>,
      tpu.vector_store %arg5[%swap3A_597], %broadcast_in_dim3A_5 {strides = array<i32>} : memref<256xi32, #tpu.memory_space<vmem>>, vector<16xi32>,
      %parallel_loop3A_599 = arith.constant 0 : i32
      %parallel_loop3A_600 = arith.constant 512 : i32
      %parallel_loop3A_601 = arith.constant 1 : i32
      scf.for %parallel_loop3A_864 = %parallel_loop3A_599 to %parallel_loop3A_600 step %parallel_loop3A_601  : i32 {
        %parallel_loop3A_865 = arith.constant 16 : i32
        %parallel_loop3A_866 = arith.muli %parallel_loop3A_864, %parallel_loop3A_865 : i32
        %parallel_loop3A_867 = arith.index_cast %parallel_loop3A_866 : i32 to index
        %parallel_loop3A_868 = tpu.vector_load %arg4[%parallel_loop3A_867] {strides = array<i32>} : memref<8192xi32, #tpu.memory_space<vmem>>, vector<16xi32>,
        %parallel_loop3A_869 = arith.constant 788787455 : i32
        %parallel_loop3A_870 = vector.broadcast %parallel_loop3A_869 : i32 to vector<16xi32>
        %parallel_loop3A_871 = arith.subi %parallel_loop3A_868, %parallel_loop3A_870 : vector<16xi32>
        %parallel_loop3A_872 = arith.constant 10 : i32
        %parallel_loop3A_873 = vector.broadcast %parallel_loop3A_872 : i32 to vector<16xi32>
        %parallel_loop3A_874 = arith.shrsi %parallel_loop3A_871, %parallel_loop3A_873 : vector<16xi32>
        %parallel_loop3A_875 = arith.cmpi eq, %parallel_loop3A_874, %add3A_566 : vector<16xi32>
        %parallel_loop3A_876 = arith.constant 5 : i32
        %parallel_loop3A_877 = vector.broadcast %parallel_loop3A_876 : i32 to vector<16xi32>
        %parallel_loop3A_878 = arith.shrsi %parallel_loop3A_871, %parallel_loop3A_877 : vector<16xi32>
        %parallel_loop3A_879 = arith.constant 31 : i32
        %parallel_loop3A_880 = vector.broadcast %parallel_loop3A_879 : i32 to vector<16xi32>
        %parallel_loop3A_881 = arith.andi %parallel_loop3A_878, %parallel_loop3A_880 : vector<16xi32>
        %parallel_loop3A_882 = arith.constant 7 : i32
        %parallel_loop3A_883 = arith.andi %parallel_loop3A_864, %parallel_loop3A_882 : i32
        %parallel_loop3A_884 = arith.constant 32 : i32
        %parallel_loop3A_885 = arith.muli %parallel_loop3A_883, %parallel_loop3A_884 : i32
        %parallel_loop3A_886 = vector.broadcast %parallel_loop3A_885 : i32 to vector<16xi32>
        %parallel_loop3A_887 = arith.addi %parallel_loop3A_881, %parallel_loop3A_886 : vector<16xi32>
        tpu.vector_store_idx %arg5[%parallel_loop3A_887], %broadcast_in_dim3A_3 masked %parallel_loop3A_875 {add = true} : memref<256xi32, #tpu.memory_space<vmem>>[vector<16xi32>], vector<16xi32>, vector<16xi1>
      } {sc.loop_unroll_factor = 8 : i64, sc.parallel_access}
      %get3A_602 = arith.constant 0 : index
      %get3A_603 = tpu.vector_load %arg5[%get3A_602] {strides = array<i32>} : memref<256xi32, #tpu.memory_space<vmem>>, vector<16xi32>,
      %get3A_604 = arith.constant 16 : index
      %get3A_605 = tpu.vector_load %arg5[%get3A_604] {strides = array<i32>} : memref<256xi32, #tpu.memory_space<vmem>>, vector<16xi32>,
      %get3A_606 = arith.constant 32 : index
      %get3A_607 = tpu.vector_load %arg5[%get3A_606] {strides = array<i32>} : memref<256xi32, #tpu.memory_space<vmem>>, vector<16xi32>,
      %add3A_608 = arith.addi %get3A_603, %get3A_607 : vector<16xi32>
      %get3A_609 = arith.constant 48 : index
      %get3A_610 = tpu.vector_load %arg5[%get3A_609] {strides = array<i32>} : memref<256xi32, #tpu.memory_space<vmem>>, vector<16xi32>,
      %add3A_611 = arith.addi %get3A_605, %get3A_610 : vector<16xi32>
      %get3A_612 = arith.constant 64 : index
      %get3A_613 = tpu.vector_load %arg5[%get3A_612] {strides = array<i32>} : memref<256xi32, #tpu.memory_space<vmem>>, vector<16xi32>,
      %add3A_614 = arith.addi %add3A_608, %get3A_613 : vector<16xi32>
      %get3A_615 = arith.constant 80 : index
      %get3A_616 = tpu.vector_load %arg5[%get3A_615] {strides = array<i32>} : memref<256xi32, #tpu.memory_space<vmem>>, vector<16xi32>,
      %add3A_617 = arith.addi %add3A_611, %get3A_616 : vector<16xi32>
      %get3A_618 = arith.constant 96 : index
      %get3A_619 = tpu.vector_load %arg5[%get3A_618] {strides = array<i32>} : memref<256xi32, #tpu.memory_space<vmem>>, vector<16xi32>,
      %add3A_620 = arith.addi %add3A_614, %get3A_619 : vector<16xi32>
      %get3A_621 = arith.constant 112 : index
      %get3A_622 = tpu.vector_load %arg5[%get3A_621] {strides = array<i32>} : memref<256xi32, #tpu.memory_space<vmem>>, vector<16xi32>,
      %add3A_623 = arith.addi %add3A_617, %get3A_622 : vector<16xi32>
      %get3A_624 = arith.constant 128 : index
      %get3A_625 = tpu.vector_load %arg5[%get3A_624] {strides = array<i32>} : memref<256xi32, #tpu.memory_space<vmem>>, vector<16xi32>,
      %add3A_626 = arith.addi %add3A_620, %get3A_625 : vector<16xi32>
      %get3A_627 = arith.constant 144 : index
      %get3A_628 = tpu.vector_load %arg5[%get3A_627] {strides = array<i32>} : memref<256xi32, #tpu.memory_space<vmem>>, vector<16xi32>,
      %add3A_629 = arith.addi %add3A_623, %get3A_628 : vector<16xi32>
      %get3A_630 = arith.constant 160 : index
      %get3A_631 = tpu.vector_load %arg5[%get3A_630] {strides = array<i32>} : memref<256xi32, #tpu.memory_space<vmem>>, vector<16xi32>,
      %add3A_632 = arith.addi %add3A_626, %get3A_631 : vector<16xi32>
      %get3A_633 = arith.constant 176 : index
      %get3A_634 = tpu.vector_load %arg5[%get3A_633] {strides = array<i32>} : memref<256xi32, #tpu.memory_space<vmem>>, vector<16xi32>,
      %add3A_635 = arith.addi %add3A_629, %get3A_634 : vector<16xi32>
      %get3A_636 = arith.constant 192 : index
      %get3A_637 = tpu.vector_load %arg5[%get3A_636] {strides = array<i32>} : memref<256xi32, #tpu.memory_space<vmem>>, vector<16xi32>,
      %add3A_638 = arith.addi %add3A_632, %get3A_637 : vector<16xi32>
      %get3A_639 = arith.constant 208 : index
      %get3A_640 = tpu.vector_load %arg5[%get3A_639] {strides = array<i32>} : memref<256xi32, #tpu.memory_space<vmem>>, vector<16xi32>,
      %add3A_641 = arith.addi %add3A_635, %get3A_640 : vector<16xi32>
      %get3A_642 = arith.constant 224 : index
      %get3A_643 = tpu.vector_load %arg5[%get3A_642] {strides = array<i32>} : memref<256xi32, #tpu.memory_space<vmem>>, vector<16xi32>,
      %add3A_644 = arith.addi %add3A_638, %get3A_643 : vector<16xi32>
      %get3A_645 = arith.constant 240 : index
      %get3A_646 = tpu.vector_load %arg5[%get3A_645] {strides = array<i32>} : memref<256xi32, #tpu.memory_space<vmem>>, vector<16xi32>,
      %add3A_647 = arith.addi %add3A_641, %get3A_646 : vector<16xi32>
      %reduce_sum3A_648 = arith.constant true
      %reduce_sum3A_649 = vector.broadcast %reduce_sum3A_648 : i1 to vector<16xi1>
      %reduce_sum3A_650 = tpu.scan <sum>, %add3A_647 masked %reduce_sum3A_649 : vector<16xi32>, vector<16xi1> -> vector<16xi32>
      %reduce_sum3A_651 = vector.extract %reduce_sum3A_650[15] : i32 from vector<16xi32>
      %rev3A_652 = arith.constant 15 : i32
      %rev3A_653 = vector.broadcast %rev3A_652 : i32 to vector<16xi32>
      %rev3A_654 = tpu.iota {dimensions = array<i32: 0>} : vector<16xi32>
      %rev3A_655 = arith.subi %rev3A_653, %rev3A_654 : vector<16xi32>
      %rev3A_656 = tpu.dynamic_gather %add3A_644[%rev3A_655] in [0] : vector<16xi32>, vector<16xi32> -> vector<16xi32>
      %broadcast_in_dim3A_657 = arith.constant true
      %broadcast_in_dim3A_658 = vector.broadcast %broadcast_in_dim3A_657 : i1 to vector<16xi1>
      %masked_cumsum3A_659 = tpu.scan <sum>, %rev3A_656 masked %broadcast_in_dim3A_658 : vector<16xi32>, vector<16xi1> -> vector<16xi32>
      %rev3A_660 = arith.constant 15 : i32
      %rev3A_661 = vector.broadcast %rev3A_660 : i32 to vector<16xi32>
      %rev3A_662 = tpu.iota {dimensions = array<i32: 0>} : vector<16xi32>
      %rev3A_663 = arith.subi %rev3A_661, %rev3A_662 : vector<16xi32>
      %rev3A_664 = tpu.dynamic_gather %masked_cumsum3A_659[%rev3A_663] in [0] : vector<16xi32>, vector<16xi32> -> vector<16xi32>
      %add3A_665 = vector.broadcast %reduce_sum3A_651 : i32 to vector<16xi32>
      %add3A_666 = arith.addi %rev3A_664, %add3A_665 : vector<16xi32>
      %rev3A_667 = arith.constant 15 : i32
      %rev3A_668 = vector.broadcast %rev3A_667 : i32 to vector<16xi32>
      %rev3A_669 = tpu.iota {dimensions = array<i32: 0>} : vector<16xi32>
      %rev3A_670 = arith.subi %rev3A_668, %rev3A_669 : vector<16xi32>
      %rev3A_671 = tpu.dynamic_gather %add3A_647[%rev3A_670] in [0] : vector<16xi32>, vector<16xi32> -> vector<16xi32>
      %broadcast_in_dim3A_672 = arith.constant true
      %broadcast_in_dim3A_673 = vector.broadcast %broadcast_in_dim3A_672 : i1 to vector<16xi1>
      %masked_cumsum3A_674 = tpu.scan <sum>, %rev3A_671 masked %broadcast_in_dim3A_673 : vector<16xi32>, vector<16xi1> -> vector<16xi32>
      %rev3A_675 = arith.constant 15 : i32
      %rev3A_676 = vector.broadcast %rev3A_675 : i32 to vector<16xi32>
      %rev3A_677 = tpu.iota {dimensions = array<i32: 0>} : vector<16xi32>
      %rev3A_678 = arith.subi %rev3A_676, %rev3A_677 : vector<16xi32>
      %rev3A_679 = tpu.dynamic_gather %masked_cumsum3A_674[%rev3A_678] in [0] : vector<16xi32>, vector<16xi32> -> vector<16xi32>
      %ge3A_680 = arith.cmpi sge, %add3A_666, %sub3A_562 : vector<16xi32>
      %ge3A_681 = arith.cmpi sge, %rev3A_679, %sub3A_562 : vector<16xi32>
      %all_reduce_population_count3A_682 = tpu.all_reduce %ge3A_680 {dim = 0 : i64, kind = #tpu.reduction_kind<sum>} : vector<16xi1> -> vector<16xi32>
      %all_reduce_population_count3A_683 = tpu.all_reduce %ge3A_681 {dim = 0 : i64, kind = #tpu.reduction_kind<sum>} : vector<16xi1> -> vector<16xi32>
      %add3A_684 = arith.addi %all_reduce_population_count3A_682, %all_reduce_population_count3A_683 : vector<16xi32>
      %sub3A_685 = arith.constant 1 : i32
      %sub3A_686 = vector.broadcast %sub3A_685 : i32 to vector<16xi32>
      %sub3A_687 = arith.subi %add3A_684, %sub3A_686 : vector<16xi32>
      %jit3A_688 = arith.constant 0 : i32
      %broadcast_in_dim3A_689 = vector.broadcast %jit3A_688 : i32 to vector<16xi32>
      %select_n3A_690 = arith.select %ge3A_680, %broadcast_in_dim3A_689, %add3A_644 : vector<16xi1>, vector<16xi32>
      %reduce_sum3A_691 = arith.constant true
      %reduce_sum3A_692 = vector.broadcast %reduce_sum3A_691 : i1 to vector<16xi1>
      %reduce_sum3A_693 = tpu.scan <sum>, %select_n3A_690 masked %reduce_sum3A_692 : vector<16xi32>, vector<16xi1> -> vector<16xi32>
      %reduce_sum3A_694 = vector.extract %reduce_sum3A_693[15] : i32 from vector<16xi32>
      %jit3A_695 = arith.constant 0 : i32
      %broadcast_in_dim3A_696 = vector.broadcast %jit3A_695 : i32 to vector<16xi32>
      %select_n3A_697 = arith.select %ge3A_681, %broadcast_in_dim3A_696, %add3A_647 : vector<16xi1>, vector<16xi32>
      %reduce_sum3A_698 = arith.constant true
      %reduce_sum3A_699 = vector.broadcast %reduce_sum3A_698 : i1 to vector<16xi1>
      %reduce_sum3A_700 = tpu.scan <sum>, %select_n3A_697 masked %reduce_sum3A_699 : vector<16xi32>, vector<16xi1> -> vector<16xi32>
      %reduce_sum3A_701 = vector.extract %reduce_sum3A_700[15] : i32 from vector<16xi32>
      %add3A_702 = arith.addi %reduce_sum3A_694, %reduce_sum3A_701 : i32
      %sub3A_703 = vector.broadcast %add3A_702 : i32 to vector<16xi32>
      %sub3A_704 = arith.subi %sub3A_562, %sub3A_703 : vector<16xi32>
      %mul3A_705 = arith.constant 32 : i32
      %mul3A_706 = vector.broadcast %mul3A_705 : i32 to vector<16xi32>
      %mul3A_707 = arith.muli %add3A_566, %mul3A_706 : vector<16xi32>
      %add3A_708 = arith.addi %mul3A_707, %sub3A_687 : vector<16xi32>
      %swap3A_709 = arith.constant 0 : index
      %swap3A_710 = tpu.vector_load %arg5[%swap3A_709] {strides = array<i32>} : memref<256xi32, #tpu.memory_space<vmem>>, vector<16xi32>,
      tpu.vector_store %arg5[%swap3A_709], %broadcast_in_dim3A_5 {strides = array<i32>} : memref<256xi32, #tpu.memory_space<vmem>>, vector<16xi32>,
      %swap3A_711 = arith.constant 16 : index
      %swap3A_712 = tpu.vector_load %arg5[%swap3A_711] {strides = array<i32>} : memref<256xi32, #tpu.memory_space<vmem>>, vector<16xi32>,
      tpu.vector_store %arg5[%swap3A_711], %broadcast_in_dim3A_5 {strides = array<i32>} : memref<256xi32, #tpu.memory_space<vmem>>, vector<16xi32>,
      %swap3A_713 = arith.constant 32 : index
      %swap3A_714 = tpu.vector_load %arg5[%swap3A_713] {strides = array<i32>} : memref<256xi32, #tpu.memory_space<vmem>>, vector<16xi32>,
      tpu.vector_store %arg5[%swap3A_713], %broadcast_in_dim3A_5 {strides = array<i32>} : memref<256xi32, #tpu.memory_space<vmem>>, vector<16xi32>,
      %swap3A_715 = arith.constant 48 : index
      %swap3A_716 = tpu.vector_load %arg5[%swap3A_715] {strides = array<i32>} : memref<256xi32, #tpu.memory_space<vmem>>, vector<16xi32>,
      tpu.vector_store %arg5[%swap3A_715], %broadcast_in_dim3A_5 {strides = array<i32>} : memref<256xi32, #tpu.memory_space<vmem>>, vector<16xi32>,
      %swap3A_717 = arith.constant 64 : index
      %swap3A_718 = tpu.vector_load %arg5[%swap3A_717] {strides = array<i32>} : memref<256xi32, #tpu.memory_space<vmem>>, vector<16xi32>,
      tpu.vector_store %arg5[%swap3A_717], %broadcast_in_dim3A_5 {strides = array<i32>} : memref<256xi32, #tpu.memory_space<vmem>>, vector<16xi32>,
      %swap3A_719 = arith.constant 80 : index
      %swap3A_720 = tpu.vector_load %arg5[%swap3A_719] {strides = array<i32>} : memref<256xi32, #tpu.memory_space<vmem>>, vector<16xi32>,
      tpu.vector_store %arg5[%swap3A_719], %broadcast_in_dim3A_5 {strides = array<i32>} : memref<256xi32, #tpu.memory_space<vmem>>, vector<16xi32>,
      %swap3A_721 = arith.constant 96 : index
      %swap3A_722 = tpu.vector_load %arg5[%swap3A_721] {strides = array<i32>} : memref<256xi32, #tpu.memory_space<vmem>>, vector<16xi32>,
      tpu.vector_store %arg5[%swap3A_721], %broadcast_in_dim3A_5 {strides = array<i32>} : memref<256xi32, #tpu.memory_space<vmem>>, vector<16xi32>,
      %swap3A_723 = arith.constant 112 : index
      %swap3A_724 = tpu.vector_load %arg5[%swap3A_723] {strides = array<i32>} : memref<256xi32, #tpu.memory_space<vmem>>, vector<16xi32>,
      tpu.vector_store %arg5[%swap3A_723], %broadcast_in_dim3A_5 {strides = array<i32>} : memref<256xi32, #tpu.memory_space<vmem>>, vector<16xi32>,
      %swap3A_725 = arith.constant 128 : index
      %swap3A_726 = tpu.vector_load %arg5[%swap3A_725] {strides = array<i32>} : memref<256xi32, #tpu.memory_space<vmem>>, vector<16xi32>,
      tpu.vector_store %arg5[%swap3A_725], %broadcast_in_dim3A_5 {strides = array<i32>} : memref<256xi32, #tpu.memory_space<vmem>>, vector<16xi32>,
      %swap3A_727 = arith.constant 144 : index
      %swap3A_728 = tpu.vector_load %arg5[%swap3A_727] {strides = array<i32>} : memref<256xi32, #tpu.memory_space<vmem>>, vector<16xi32>,
      tpu.vector_store %arg5[%swap3A_727], %broadcast_in_dim3A_5 {strides = array<i32>} : memref<256xi32, #tpu.memory_space<vmem>>, vector<16xi32>,
      %swap3A_729 = arith.constant 160 : index
      %swap3A_730 = tpu.vector_load %arg5[%swap3A_729] {strides = array<i32>} : memref<256xi32, #tpu.memory_space<vmem>>, vector<16xi32>,
      tpu.vector_store %arg5[%swap3A_729], %broadcast_in_dim3A_5 {strides = array<i32>} : memref<256xi32, #tpu.memory_space<vmem>>, vector<16xi32>,
      %swap3A_731 = arith.constant 176 : index
      %swap3A_732 = tpu.vector_load %arg5[%swap3A_731] {strides = array<i32>} : memref<256xi32, #tpu.memory_space<vmem>>, vector<16xi32>,
      tpu.vector_store %arg5[%swap3A_731], %broadcast_in_dim3A_5 {strides = array<i32>} : memref<256xi32, #tpu.memory_space<vmem>>, vector<16xi32>,
      %swap3A_733 = arith.constant 192 : index
      %swap3A_734 = tpu.vector_load %arg5[%swap3A_733] {strides = array<i32>} : memref<256xi32, #tpu.memory_space<vmem>>, vector<16xi32>,
      tpu.vector_store %arg5[%swap3A_733], %broadcast_in_dim3A_5 {strides = array<i32>} : memref<256xi32, #tpu.memory_space<vmem>>, vector<16xi32>,
      %swap3A_735 = arith.constant 208 : index
      %swap3A_736 = tpu.vector_load %arg5[%swap3A_735] {strides = array<i32>} : memref<256xi32, #tpu.memory_space<vmem>>, vector<16xi32>,
      tpu.vector_store %arg5[%swap3A_735], %broadcast_in_dim3A_5 {strides = array<i32>} : memref<256xi32, #tpu.memory_space<vmem>>, vector<16xi32>,
      %swap3A_737 = arith.constant 224 : index
      %swap3A_738 = tpu.vector_load %arg5[%swap3A_737] {strides = array<i32>} : memref<256xi32, #tpu.memory_space<vmem>>, vector<16xi32>,
      tpu.vector_store %arg5[%swap3A_737], %broadcast_in_dim3A_5 {strides = array<i32>} : memref<256xi32, #tpu.memory_space<vmem>>, vector<16xi32>,
      %swap3A_739 = arith.constant 240 : index
      %swap3A_740 = tpu.vector_load %arg5[%swap3A_739] {strides = array<i32>} : memref<256xi32, #tpu.memory_space<vmem>>, vector<16xi32>,
      tpu.vector_store %arg5[%swap3A_739], %broadcast_in_dim3A_5 {strides = array<i32>} : memref<256xi32, #tpu.memory_space<vmem>>, vector<16xi32>,
      %parallel_loop3A_741 = arith.constant 0 : i32
      %parallel_loop3A_742 = arith.constant 512 : i32
      %parallel_loop3A_743 = arith.constant 1 : i32
      scf.for %parallel_loop3A_864 = %parallel_loop3A_741 to %parallel_loop3A_742 step %parallel_loop3A_743  : i32 {
        %parallel_loop3A_865 = arith.constant 16 : i32
        %parallel_loop3A_866 = arith.muli %parallel_loop3A_864, %parallel_loop3A_865 : i32
        %parallel_loop3A_867 = arith.index_cast %parallel_loop3A_866 : i32 to index
        %parallel_loop3A_868 = tpu.vector_load %arg4[%parallel_loop3A_867] {strides = array<i32>} : memref<8192xi32, #tpu.memory_space<vmem>>, vector<16xi32>,
        %parallel_loop3A_869 = arith.constant 788787455 : i32
        %parallel_loop3A_870 = vector.broadcast %parallel_loop3A_869 : i32 to vector<16xi32>
        %parallel_loop3A_871 = arith.subi %parallel_loop3A_868, %parallel_loop3A_870 : vector<16xi32>
        %parallel_loop3A_872 = arith.constant 5 : i32
        %parallel_loop3A_873 = vector.broadcast %parallel_loop3A_872 : i32 to vector<16xi32>
        %parallel_loop3A_874 = arith.shrsi %parallel_loop3A_871, %parallel_loop3A_873 : vector<16xi32>
        %parallel_loop3A_875 = arith.cmpi eq, %parallel_loop3A_874, %add3A_708 : vector<16xi32>
        %parallel_loop3A_876 = arith.constant 0 : i32
        %parallel_loop3A_877 = vector.broadcast %parallel_loop3A_876 : i32 to vector<16xi32>
        %parallel_loop3A_878 = arith.shrsi %parallel_loop3A_871, %parallel_loop3A_877 : vector<16xi32>
        %parallel_loop3A_879 = arith.constant 31 : i32
        %parallel_loop3A_880 = vector.broadcast %parallel_loop3A_879 : i32 to vector<16xi32>
        %parallel_loop3A_881 = arith.andi %parallel_loop3A_878, %parallel_loop3A_880 : vector<16xi32>
        %parallel_loop3A_882 = arith.constant 7 : i32
        %parallel_loop3A_883 = arith.andi %parallel_loop3A_864, %parallel_loop3A_882 : i32
        %parallel_loop3A_884 = arith.constant 32 : i32
        %parallel_loop3A_885 = arith.muli %parallel_loop3A_883, %parallel_loop3A_884 : i32
        %parallel_loop3A_886 = vector.broadcast %parallel_loop3A_885 : i32 to vector<16xi32>
        %parallel_loop3A_887 = arith.addi %parallel_loop3A_881, %parallel_loop3A_886 : vector<16xi32>
        tpu.vector_store_idx %arg5[%parallel_loop3A_887], %broadcast_in_dim3A_3 masked %parallel_loop3A_875 {add = true} : memref<256xi32, #tpu.memory_space<vmem>>[vector<16xi32>], vector<16xi32>, vector<16xi1>
      } {sc.loop_unroll_factor = 8 : i64, sc.parallel_access}
      %get3A_744 = arith.constant 0 : index
      %get3A_745 = tpu.vector_load %arg5[%get3A_744] {strides = array<i32>} : memref<256xi32, #tpu.memory_space<vmem>>, vector<16xi32>,
      %get3A_746 = arith.constant 16 : index
      %get3A_747 = tpu.vector_load %arg5[%get3A_746] {strides = array<i32>} : memref<256xi32, #tpu.memory_space<vmem>>, vector<16xi32>,
      %get3A_748 = arith.constant 32 : index
      %get3A_749 = tpu.vector_load %arg5[%get3A_748] {strides = array<i32>} : memref<256xi32, #tpu.memory_space<vmem>>, vector<16xi32>,
      %add3A_750 = arith.addi %get3A_745, %get3A_749 : vector<16xi32>
      %get3A_751 = arith.constant 48 : index
      %get3A_752 = tpu.vector_load %arg5[%get3A_751] {strides = array<i32>} : memref<256xi32, #tpu.memory_space<vmem>>, vector<16xi32>,
      %add3A_753 = arith.addi %get3A_747, %get3A_752 : vector<16xi32>
      %get3A_754 = arith.constant 64 : index
      %get3A_755 = tpu.vector_load %arg5[%get3A_754] {strides = array<i32>} : memref<256xi32, #tpu.memory_space<vmem>>, vector<16xi32>,
      %add3A_756 = arith.addi %add3A_750, %get3A_755 : vector<16xi32>
      %get3A_757 = arith.constant 80 : index
      %get3A_758 = tpu.vector_load %arg5[%get3A_757] {strides = array<i32>} : memref<256xi32, #tpu.memory_space<vmem>>, vector<16xi32>,
      %add3A_759 = arith.addi %add3A_753, %get3A_758 : vector<16xi32>
      %get3A_760 = arith.constant 96 : index
      %get3A_761 = tpu.vector_load %arg5[%get3A_760] {strides = array<i32>} : memref<256xi32, #tpu.memory_space<vmem>>, vector<16xi32>,
      %add3A_762 = arith.addi %add3A_756, %get3A_761 : vector<16xi32>
      %get3A_763 = arith.constant 112 : index
      %get3A_764 = tpu.vector_load %arg5[%get3A_763] {strides = array<i32>} : memref<256xi32, #tpu.memory_space<vmem>>, vector<16xi32>,
      %add3A_765 = arith.addi %add3A_759, %get3A_764 : vector<16xi32>
      %get3A_766 = arith.constant 128 : index
      %get3A_767 = tpu.vector_load %arg5[%get3A_766] {strides = array<i32>} : memref<256xi32, #tpu.memory_space<vmem>>, vector<16xi32>,
      %add3A_768 = arith.addi %add3A_762, %get3A_767 : vector<16xi32>
      %get3A_769 = arith.constant 144 : index
      %get3A_770 = tpu.vector_load %arg5[%get3A_769] {strides = array<i32>} : memref<256xi32, #tpu.memory_space<vmem>>, vector<16xi32>,
      %add3A_771 = arith.addi %add3A_765, %get3A_770 : vector<16xi32>
      %get3A_772 = arith.constant 160 : index
      %get3A_773 = tpu.vector_load %arg5[%get3A_772] {strides = array<i32>} : memref<256xi32, #tpu.memory_space<vmem>>, vector<16xi32>,
      %add3A_774 = arith.addi %add3A_768, %get3A_773 : vector<16xi32>
      %get3A_775 = arith.constant 176 : index
      %get3A_776 = tpu.vector_load %arg5[%get3A_775] {strides = array<i32>} : memref<256xi32, #tpu.memory_space<vmem>>, vector<16xi32>,
      %add3A_777 = arith.addi %add3A_771, %get3A_776 : vector<16xi32>
      %get3A_778 = arith.constant 192 : index
      %get3A_779 = tpu.vector_load %arg5[%get3A_778] {strides = array<i32>} : memref<256xi32, #tpu.memory_space<vmem>>, vector<16xi32>,
      %add3A_780 = arith.addi %add3A_774, %get3A_779 : vector<16xi32>
      %get3A_781 = arith.constant 208 : index
      %get3A_782 = tpu.vector_load %arg5[%get3A_781] {strides = array<i32>} : memref<256xi32, #tpu.memory_space<vmem>>, vector<16xi32>,
      %add3A_783 = arith.addi %add3A_777, %get3A_782 : vector<16xi32>
      %get3A_784 = arith.constant 224 : index
      %get3A_785 = tpu.vector_load %arg5[%get3A_784] {strides = array<i32>} : memref<256xi32, #tpu.memory_space<vmem>>, vector<16xi32>,
      %add3A_786 = arith.addi %add3A_780, %get3A_785 : vector<16xi32>
      %get3A_787 = arith.constant 240 : index
      %get3A_788 = tpu.vector_load %arg5[%get3A_787] {strides = array<i32>} : memref<256xi32, #tpu.memory_space<vmem>>, vector<16xi32>,
      %add3A_789 = arith.addi %add3A_783, %get3A_788 : vector<16xi32>
      %reduce_sum3A_790 = arith.constant true
      %reduce_sum3A_791 = vector.broadcast %reduce_sum3A_790 : i1 to vector<16xi1>
      %reduce_sum3A_792 = tpu.scan <sum>, %add3A_789 masked %reduce_sum3A_791 : vector<16xi32>, vector<16xi1> -> vector<16xi32>
      %reduce_sum3A_793 = vector.extract %reduce_sum3A_792[15] : i32 from vector<16xi32>
      %rev3A_794 = arith.constant 15 : i32
      %rev3A_795 = vector.broadcast %rev3A_794 : i32 to vector<16xi32>
      %rev3A_796 = tpu.iota {dimensions = array<i32: 0>} : vector<16xi32>
      %rev3A_797 = arith.subi %rev3A_795, %rev3A_796 : vector<16xi32>
      %rev3A_798 = tpu.dynamic_gather %add3A_786[%rev3A_797] in [0] : vector<16xi32>, vector<16xi32> -> vector<16xi32>
      %broadcast_in_dim3A_799 = arith.constant true
      %broadcast_in_dim3A_800 = vector.broadcast %broadcast_in_dim3A_799 : i1 to vector<16xi1>
      %masked_cumsum3A_801 = tpu.scan <sum>, %rev3A_798 masked %broadcast_in_dim3A_800 : vector<16xi32>, vector<16xi1> -> vector<16xi32>
      %rev3A_802 = arith.constant 15 : i32
      %rev3A_803 = vector.broadcast %rev3A_802 : i32 to vector<16xi32>
      %rev3A_804 = tpu.iota {dimensions = array<i32: 0>} : vector<16xi32>
      %rev3A_805 = arith.subi %rev3A_803, %rev3A_804 : vector<16xi32>
      %rev3A_806 = tpu.dynamic_gather %masked_cumsum3A_801[%rev3A_805] in [0] : vector<16xi32>, vector<16xi32> -> vector<16xi32>
      %add3A_807 = vector.broadcast %reduce_sum3A_793 : i32 to vector<16xi32>
      %add3A_808 = arith.addi %rev3A_806, %add3A_807 : vector<16xi32>
      %rev3A_809 = arith.constant 15 : i32
      %rev3A_810 = vector.broadcast %rev3A_809 : i32 to vector<16xi32>
      %rev3A_811 = tpu.iota {dimensions = array<i32: 0>} : vector<16xi32>
      %rev3A_812 = arith.subi %rev3A_810, %rev3A_811 : vector<16xi32>
      %rev3A_813 = tpu.dynamic_gather %add3A_789[%rev3A_812] in [0] : vector<16xi32>, vector<16xi32> -> vector<16xi32>
      %broadcast_in_dim3A_814 = arith.constant true
      %broadcast_in_dim3A_815 = vector.broadcast %broadcast_in_dim3A_814 : i1 to vector<16xi1>
      %masked_cumsum3A_816 = tpu.scan <sum>, %rev3A_813 masked %broadcast_in_dim3A_815 : vector<16xi32>, vector<16xi1> -> vector<16xi32>
      %rev3A_817 = arith.constant 15 : i32
      %rev3A_818 = vector.broadcast %rev3A_817 : i32 to vector<16xi32>
      %rev3A_819 = tpu.iota {dimensions = array<i32: 0>} : vector<16xi32>
      %rev3A_820 = arith.subi %rev3A_818, %rev3A_819 : vector<16xi32>
      %rev3A_821 = tpu.dynamic_gather %masked_cumsum3A_816[%rev3A_820] in [0] : vector<16xi32>, vector<16xi32> -> vector<16xi32>
      %ge3A_822 = arith.cmpi sge, %add3A_808, %sub3A_704 : vector<16xi32>
      %ge3A_823 = arith.cmpi sge, %rev3A_821, %sub3A_704 : vector<16xi32>
      %all_reduce_population_count3A_824 = tpu.all_reduce %ge3A_822 {dim = 0 : i64, kind = #tpu.reduction_kind<sum>} : vector<16xi1> -> vector<16xi32>
      %all_reduce_population_count3A_825 = tpu.all_reduce %ge3A_823 {dim = 0 : i64, kind = #tpu.reduction_kind<sum>} : vector<16xi1> -> vector<16xi32>
      %add3A_826 = arith.addi %all_reduce_population_count3A_824, %all_reduce_population_count3A_825 : vector<16xi32>
      %sub3A_827 = arith.constant 1 : i32
      %sub3A_828 = vector.broadcast %sub3A_827 : i32 to vector<16xi32>
      %sub3A_829 = arith.subi %add3A_826, %sub3A_828 : vector<16xi32>
      %jit3A_830 = arith.constant 0 : i32
      %broadcast_in_dim3A_831 = vector.broadcast %jit3A_830 : i32 to vector<16xi32>
      %select_n3A_832 = arith.select %ge3A_822, %broadcast_in_dim3A_831, %add3A_786 : vector<16xi1>, vector<16xi32>
      %reduce_sum3A_833 = arith.constant true
      %reduce_sum3A_834 = vector.broadcast %reduce_sum3A_833 : i1 to vector<16xi1>
      %reduce_sum3A_835 = tpu.scan <sum>, %select_n3A_832 masked %reduce_sum3A_834 : vector<16xi32>, vector<16xi1> -> vector<16xi32>
      %reduce_sum3A_836 = vector.extract %reduce_sum3A_835[15] : i32 from vector<16xi32>
      %jit3A_837 = arith.constant 0 : i32
      %broadcast_in_dim3A_838 = vector.broadcast %jit3A_837 : i32 to vector<16xi32>
      %select_n3A_839 = arith.select %ge3A_823, %broadcast_in_dim3A_838, %add3A_789 : vector<16xi1>, vector<16xi32>
      %reduce_sum3A_840 = arith.constant true
      %reduce_sum3A_841 = vector.broadcast %reduce_sum3A_840 : i1 to vector<16xi1>
      %reduce_sum3A_842 = tpu.scan <sum>, %select_n3A_839 masked %reduce_sum3A_841 : vector<16xi32>, vector<16xi1> -> vector<16xi32>
      %reduce_sum3A_843 = vector.extract %reduce_sum3A_842[15] : i32 from vector<16xi32>
      %add3A_844 = arith.addi %reduce_sum3A_836, %reduce_sum3A_843 : i32
      %sub3A_845 = vector.broadcast %add3A_844 : i32 to vector<16xi32>
      %sub3A_846 = arith.subi %sub3A_704, %sub3A_845 : vector<16xi32>
      %mul3A_847 = arith.constant 32 : i32
      %mul3A_848 = vector.broadcast %mul3A_847 : i32 to vector<16xi32>
      %mul3A_849 = arith.muli %add3A_708, %mul3A_848 : vector<16xi32>
      %add3A_850 = arith.addi %mul3A_849, %sub3A_829 : vector<16xi32>
      %add3A_851 = arith.constant 788787455 : i32
      %add3A_852 = vector.broadcast %add3A_851 : i32 to vector<16xi32>
      %add3A_853 = arith.addi %add3A_850, %add3A_852 : vector<16xi32>
      %swap3A_854 = arith.constant 0 : index
      %swap3A_855 = tpu.vector_load %arg6[%swap3A_854] {strides = array<i32>} : memref<32xi32, #tpu.memory_space<vmem>>, vector<16xi32>,
      tpu.vector_store %arg6[%swap3A_854], %add3A_853 {strides = array<i32>} : memref<32xi32, #tpu.memory_space<vmem>>, vector<16xi32>,
      %swap3A_856 = arith.constant 16 : index
      %swap3A_857 = tpu.vector_load %arg6[%swap3A_856] {strides = array<i32>} : memref<32xi32, #tpu.memory_space<vmem>>, vector<16xi32>,
      tpu.vector_store %arg6[%swap3A_856], %sub3A_846 {strides = array<i32>} : memref<32xi32, #tpu.memory_space<vmem>>, vector<16xi32>,
      %mul3A_858 = arith.constant 16 : i32
      %mul3A_859 = arith.muli %add3A, %mul3A_858 : i32
      "tpu.region"() ({
        %run_scoped3A = tpu.sem_alloc : memref<!tpu.dma_semaphore, #tpu.memory_space<semaphore_mem>>
        %dma_start3A = arith.constant 0 : i32
        %dma_start3A_864 = tpu.memref_slice %arg6[%dma_start3A] : memref<32xi32, #tpu.memory_space<vmem>> -> memref<16xi32, #tpu.memory_space<vmem>>
        %dma_start3A_865 = tpu.memref_slice %arg3[%mul3A_859] : memref<512xi32, #tpu.memory_space<hbm>> -> memref<16xi32, #tpu.memory_space<hbm>>
        %dma_start3A_866 = tpu.memref_slice %arg3[%mul3A_859] : memref<512xi32, #tpu.memory_space<hbm>> -> memref<16xi32, #tpu.memory_space<hbm>>
        %dma_start3A_867 = arith.constant 0 : i32
        %dma_start3A_868 = tpu.memref_slice %arg6[%dma_start3A_867] : memref<32xi32, #tpu.memory_space<vmem>> -> memref<16xi32, #tpu.memory_space<vmem>>
        tpu.enqueue_dma source(%dma_start3A_868 : memref<16xi32, #tpu.memory_space<vmem>>) target(%dma_start3A_866 : memref<16xi32, #tpu.memory_space<hbm>>) target_semaphore(%run_scoped3A : memref<!tpu.dma_semaphore, #tpu.memory_space<semaphore_mem>>)
        %dma_wait3A = arith.constant 0 : i32
        %dma_wait3A_869 = tpu.memref_slice %arg6[%dma_wait3A] : memref<32xi32, #tpu.memory_space<vmem>> -> memref<16xi32, #tpu.memory_space<vmem>>
        %dma_wait3A_870 = tpu.memref_slice %arg3[%mul3A_859] : memref<512xi32, #tpu.memory_space<hbm>> -> memref<16xi32, #tpu.memory_space<hbm>>
        %dma_wait3A_871 = tpu.memref_slice %arg3[%mul3A_859] : memref<512xi32, #tpu.memory_space<hbm>> -> memref<16xi32, #tpu.memory_space<hbm>>
        %dma_wait3A_872 = arith.constant 0 : i32
        %dma_wait3A_873 = tpu.memref_slice %arg6[%dma_wait3A_872] : memref<32xi32, #tpu.memory_space<vmem>> -> memref<16xi32, #tpu.memory_space<vmem>>
        tpu.wait_dma2 semaphore(%run_scoped3A : memref<!tpu.dma_semaphore, #tpu.memory_space<semaphore_mem>>) src(%dma_wait3A_873 : memref<16xi32, #tpu.memory_space<vmem>>) dst(%dma_wait3A_871 : memref<16xi32, #tpu.memory_space<hbm>>)
        tpu.yield
      }) : () -> ()
      %mul3A_860 = arith.constant 16 : i32
      %mul3A_861 = arith.muli %add3A, %mul3A_860 : i32
      %add3A_862 = arith.constant 256 : i32
      %add3A_863 = arith.addi %add3A_862, %mul3A_861 : i32
      "tpu.region"() ({
        %run_scoped3A = tpu.sem_alloc : memref<!tpu.dma_semaphore, #tpu.memory_space<semaphore_mem>>
        %dma_start3A = arith.constant 16 : i32
        %dma_start3A_864 = tpu.memref_slice %arg6[%dma_start3A] : memref<32xi32, #tpu.memory_space<vmem>> -> memref<16xi32, #tpu.memory_space<vmem>>
        %dma_start3A_865 = tpu.memref_slice %arg3[%add3A_863] : memref<512xi32, #tpu.memory_space<hbm>> -> memref<16xi32, #tpu.memory_space<hbm>>
        %dma_start3A_866 = tpu.memref_slice %arg3[%add3A_863] : memref<512xi32, #tpu.memory_space<hbm>> -> memref<16xi32, #tpu.memory_space<hbm>>
        %dma_start3A_867 = arith.constant 16 : i32
        %dma_start3A_868 = tpu.memref_slice %arg6[%dma_start3A_867] : memref<32xi32, #tpu.memory_space<vmem>> -> memref<16xi32, #tpu.memory_space<vmem>>
        tpu.enqueue_dma source(%dma_start3A_868 : memref<16xi32, #tpu.memory_space<vmem>>) target(%dma_start3A_866 : memref<16xi32, #tpu.memory_space<hbm>>) target_semaphore(%run_scoped3A : memref<!tpu.dma_semaphore, #tpu.memory_space<semaphore_mem>>)
        %dma_wait3A = arith.constant 16 : i32
        %dma_wait3A_869 = tpu.memref_slice %arg6[%dma_wait3A] : memref<32xi32, #tpu.memory_space<vmem>> -> memref<16xi32, #tpu.memory_space<vmem>>
        %dma_wait3A_870 = tpu.memref_slice %arg3[%add3A_863] : memref<512xi32, #tpu.memory_space<hbm>> -> memref<16xi32, #tpu.memory_space<hbm>>
        %dma_wait3A_871 = tpu.memref_slice %arg3[%add3A_863] : memref<512xi32, #tpu.memory_space<hbm>> -> memref<16xi32, #tpu.memory_space<hbm>>
        %dma_wait3A_872 = arith.constant 16 : i32
        %dma_wait3A_873 = tpu.memref_slice %arg6[%dma_wait3A_872] : memref<32xi32, #tpu.memory_space<vmem>> -> memref<16xi32, #tpu.memory_space<vmem>>
        tpu.wait_dma2 semaphore(%run_scoped3A : memref<!tpu.dma_semaphore, #tpu.memory_space<semaphore_mem>>) src(%dma_wait3A_873 : memref<16xi32, #tpu.memory_space<vmem>>) dst(%dma_wait3A_871 : memref<16xi32, #tpu.memory_space<hbm>>)
        tpu.yield
      }) : () -> ()
    } else {
    }
    return
  }
}

module attributes {stable_mosaic.version = 14 : i64} {
  func.func @_probs_body(%arg0: i32, %arg1: memref<512x2048xf32, #tpu.memory_space<vmem>>, %arg2: memref<16x2048xf32, #tpu.memory_space<vmem>>, %arg3: memref<16x512xi32, #tpu.memory_space<vmem>>) attributes {dimension_semantics = [#tpu.dimension_semantics<arbitrary>], iteration_bounds = array<i64: 16>, scalar_prefetch = 0 : i64, scratch_operands = 0 : i64, tpu.core_type = #tpu.core_type<tc>, window_params = [{transform_indices = @transform_0, window_bounds = array<i64: 512, 2048>}, {pipeline_mode = #tpu.pipeline_mode<synchronous>, transform_indices = @transform_1, window_bounds = array<i64: 16, 2048>}, {transform_indices = @transform_2, window_bounds = array<i64: 16, 512>}]} {
    %get3A = arith.constant 0 : index
    %get3A_0 = arith.constant 0 : index
    %get3A_1 = vector.load %arg1[%get3A, %get3A_0] : memref<512x2048xf32, #tpu.memory_space<vmem>>, vector<512x2048xf32>
    %get3A_2 = arith.constant 0 : index
    %get3A_3 = arith.constant 0 : index
    %get3A_4 = vector.load %arg2[%get3A_2, %get3A_3] : memref<16x2048xf32, #tpu.memory_space<vmem>>, vector<16x2048xf32>
    %dot_general3A = arith.constant dense<0.000000e+00> : vector<512x16xf32>
    %dot_general3A_5 = tpu.matmul %get3A_1, %get3A_4, %dot_general3A {dimension_numbers = #tpu.dot_dimension_numbers<[1], [1], [0], [0], [0, 0, 1, 0], [], []>, transpose_lhs_hint = false} : vector<512x2048xf32>, vector<16x2048xf32>, vector<512x16xf32> -> vector<512x16xf32>
    %jit3A = arith.constant -1.000000e+01 : f32
    %jit3A_6 = arith.constant 1.000000e+01 : f32
    %max3A = vector.broadcast %jit3A : f32 to vector<512x16xf32>
    %max3A_7 = arith.maximumf %max3A, %dot_general3A_5 : vector<512x16xf32>
    %min3A = vector.broadcast %jit3A_6 : f32 to vector<512x16xf32>
    %min3A_8 = arith.minimumf %min3A, %max3A_7 : vector<512x16xf32>
    %reduce_max3A = arith.constant dense<0xFF800000> : vector<512xf32>
    %reduce_max3A_9 = vector.multi_reduction <maximumf>, %min3A_8, %reduce_max3A [1] : vector<512x16xf32> to vector<512xf32>
    %broadcast_in_dim3A = vector.shape_cast %reduce_max3A_9 : vector<512xf32> to vector<512x1xf32>
    %sub3A = vector.broadcast %broadcast_in_dim3A : vector<512x1xf32> to vector<512x16xf32>
    %sub3A_10 = arith.subf %min3A_8, %sub3A : vector<512x16xf32>
    %exp3A = math.exp %sub3A_10 : vector<512x16xf32>
    %reduce_sum3A = arith.constant dense<0.000000e+00> : vector<512xf32>
    %reduce_sum3A_11 = vector.multi_reduction <add>, %exp3A, %reduce_sum3A [1] : vector<512x16xf32> to vector<512xf32>
    %broadcast_in_dim3A_12 = vector.shape_cast %reduce_sum3A_11 : vector<512xf32> to vector<512x1xf32>
    %div3A = vector.broadcast %broadcast_in_dim3A_12 : vector<512x1xf32> to vector<512x16xf32>
    %div3A_13 = arith.divf %exp3A, %div3A : vector<512x16xf32>
    %transpose3A = tpu.transpose %div3A_13, [1, 0] : vector<512x16xf32> -> vector<16x512xf32>
    %bitcast_convert_type3A = tpu.bitcast %transpose3A : vector<16x512xf32> -> vector<16x512xi32>
    %swap3A = arith.constant 0 : index
    %swap3A_14 = arith.constant 0 : index
    %swap3A_15 = vector.load %arg3[%swap3A, %swap3A_14] : memref<16x512xi32, #tpu.memory_space<vmem>>, vector<16x512xi32>
    tpu.vector_store %arg3[%swap3A, %swap3A_14], %bitcast_convert_type3A {strides = array<i32>} : memref<16x512xi32, #tpu.memory_space<vmem>>, vector<16x512xi32>,
    return
  }
  func.func @transform_0(%arg0: i32) -> (i32, i32) {
    %c0_i32 = arith.constant 0 : i32
    %c0_i32_0 = arith.constant 0 : i32
    return %arg0, %c0_i32 : i32, i32
  }
  func.func @transform_1(%arg0: i32) -> (i32, i32) {
    %c0_i32 = arith.constant 0 : i32
    %c0_i32_0 = arith.constant 0 : i32
    %c0_i32_1 = arith.constant 0 : i32
    return %c0_i32, %c0_i32_0 : i32, i32
  }
  func.func @transform_2(%arg0: i32) -> (i32, i32) {
    %c0_i32 = arith.constant 0 : i32
    %c0_i32_0 = arith.constant 0 : i32
    return %c0_i32, %arg0 : i32, i32
  }
}

module attributes {stable_mosaic.version = 14 : i64} {
  func.func @_finalize_body(%arg0: i32, %arg1: memref<16x8192xi32, #tpu.memory_space<vmem>>, %arg2: memref<16x512xi32, #tpu.memory_space<vmem>>, %arg3: memref<32x16xi32, #tpu.memory_space<vmem>>, %arg4: memref<1x512x16xf32, #tpu.memory_space<vmem>>, %arg5: memref<1x512x16xf32, #tpu.memory_space<vmem>>, %arg6: memref<16x1xi32, #tpu.memory_space<vmem>>, %arg7: memref<16x1xi32, #tpu.memory_space<vmem>>) attributes {dimension_semantics = [#tpu.dimension_semantics<arbitrary>], iteration_bounds = array<i64: 16>, scalar_prefetch = 0 : i64, scratch_operands = 2 : i64, tpu.core_type = #tpu.core_type<tc>, window_params = [{pipeline_mode = #tpu.pipeline_mode<synchronous>, transform_indices = @transform_0, window_bounds = array<i64: 16, 8192>}, {transform_indices = @transform_1, window_bounds = array<i64: 16, 512>}, {pipeline_mode = #tpu.pipeline_mode<synchronous>, transform_indices = @transform_2, window_bounds = array<i64: 32, 16>}, {transform_indices = @transform_3, window_bounds = array<i64: 1, 512, 16>}, {transform_indices = @transform_4, window_bounds = array<i64: 1, 512, 16>}]} {
    %eq3A = arith.constant 0 : i32
    %eq3A_0 = arith.cmpi eq, %arg0, %eq3A : i32
    %convert_element_type3A = arith.extui %eq3A_0 : i1 to i32
    %cond3A = arith.constant 0 : i32
    %cond3A_1 = arith.cmpi ne, %convert_element_type3A, %cond3A : i32
    scf.if %cond3A_1 {
      %iota3A_33 = tpu.iota {dimensions = array<i32: 0>} : vector<16x16xi32>
      %iota3A_34 = tpu.iota {dimensions = array<i32: 1>} : vector<16x16xi32>
      %eq3A_35 = arith.cmpi eq, %iota3A_33, %iota3A_34 : vector<16x16xi32>
      %get3A_36 = arith.constant 0 : index
      %get3A_37 = arith.constant 0 : index
      %get3A_38 = vector.load %arg3[%get3A_36, %get3A_37] : memref<32x16xi32, #tpu.memory_space<vmem>>, vector<32x16xi32>
      %slice3A = vector.extract_strided_slice %get3A_38 {offsets = [0, 0], sizes = [16, 16], strides = [1, 1]} : vector<32x16xi32> to vector<16x16xi32>
      %jit3A = arith.constant 0 : i32
      %broadcast_in_dim3A_39 = vector.broadcast %jit3A : i32 to vector<16x16xi32>
      %select_n3A = arith.select %eq3A_35, %slice3A, %broadcast_in_dim3A_39 : vector<16x16xi1>, vector<16x16xi32>
      %reduce_sum3A_40 = arith.constant dense<0> : vector<16xi32>
      %reduce_sum3A_41 = vector.multi_reduction <add>, %select_n3A, %reduce_sum3A_40 [1] : vector<16x16xi32> to vector<16xi32>
      %broadcast_in_dim3A_42 = vector.shape_cast %reduce_sum3A_41 : vector<16xi32> to vector<16x1xi32>
      %swap3A_43 = arith.constant 0 : index
      %swap3A_44 = arith.constant 0 : index
      %swap3A_45 = vector.load %arg6[%swap3A_43, %swap3A_44] : memref<16x1xi32, #tpu.memory_space<vmem>>, vector<16x1xi32>
      tpu.vector_store %arg6[%swap3A_43, %swap3A_44], %broadcast_in_dim3A_42 {strides = array<i32>} : memref<16x1xi32, #tpu.memory_space<vmem>>, vector<16x1xi32>,
      %broadcast_in_dim3A_46 = arith.constant 8191 : i32
      %broadcast_in_dim3A_47 = vector.broadcast %broadcast_in_dim3A_46 : i32 to vector<16x1xi32>
      %swap3A_48 = arith.constant 0 : index
      %swap3A_49 = arith.constant 0 : index
      %swap3A_50 = vector.load %arg7[%swap3A_48, %swap3A_49] : memref<16x1xi32, #tpu.memory_space<vmem>>, vector<16x1xi32>
      tpu.vector_store %arg7[%swap3A_48, %swap3A_49], %broadcast_in_dim3A_47 {strides = array<i32>} : memref<16x1xi32, #tpu.memory_space<vmem>>, vector<16x1xi32>,
      %get3A_51 = arith.constant 0 : index
      %get3A_52 = arith.constant 0 : index
      %get3A_53 = vector.load %arg1[%get3A_51, %get3A_52] : memref<16x8192xi32, #tpu.memory_space<vmem>>, vector<16x8192xi32>
      %ge3A = vector.broadcast %broadcast_in_dim3A_42 : vector<16x1xi32> to vector<16x8192xi32>
      %ge3A_54 = arith.cmpi sge, %get3A_53, %ge3A : vector<16x8192xi32>
      %convert_element_type3A_55 = arith.extui %ge3A_54 : vector<16x8192xi1> to vector<16x8192xi32>
      %convert_element_type3A_56 = arith.sitofp %convert_element_type3A_55 : vector<16x8192xi32> to vector<16x8192xf32>
      %reduce_sum3A_57 = arith.constant dense<0.000000e+00> : vector<16xf32>
      %reduce_sum3A_58 = vector.multi_reduction <add>, %convert_element_type3A_56, %reduce_sum3A_57 [1] : vector<16x8192xf32> to vector<16xf32>
      %broadcast_in_dim3A_59 = vector.shape_cast %reduce_sum3A_58 : vector<16xf32> to vector<16x1xf32>
      %gt3A_60 = arith.constant 1.024000e+03 : f32
      %gt3A_61 = vector.broadcast %gt3A_60 : f32 to vector<16x1xf32>
      %gt3A_62 = arith.cmpf ogt, %broadcast_in_dim3A_59, %gt3A_61 : vector<16x1xf32>
      %reduce_or3A = arith.constant 1.000000e+00 : f32
      %reduce_or3A_63 = arith.constant 0.000000e+00 : f32
      %reduce_or3A_64 = vector.broadcast %reduce_or3A : f32 to vector<16x1xf32>
      %reduce_or3A_65 = vector.broadcast %reduce_or3A_63 : f32 to vector<16x1xf32>
      %reduce_or3A_66 = arith.select %gt3A_62, %reduce_or3A_64, %reduce_or3A_65 : vector<16x1xi1>, vector<16x1xf32>
      %reduce_or3A_67 = vector.shape_cast %reduce_or3A_66 : vector<16x1xf32> to vector<1x16x1xf32>
      %reduce_or3A_68 = arith.constant dense<0xFF800000> : vector<1xf32>
      %reduce_or3A_69 = vector.multi_reduction <maximumf>, %reduce_or3A_67, %reduce_or3A_68 [1, 2] : vector<1x16x1xf32> to vector<1xf32>
      %reduce_or3A_70 = vector.shape_cast %reduce_or3A_69 : vector<1xf32> to vector<1x1x1xf32>
      %reduce_or3A_71 = vector.extract %reduce_or3A_70[0, 0, 0] : f32 from vector<1x1x1xf32>
      %reduce_or3A_72 = arith.constant 0.000000e+00 : f32
      %reduce_or3A_73 = arith.cmpf ogt, %reduce_or3A_71, %reduce_or3A_72 : f32
      %convert_element_type3A_74 = arith.extui %reduce_or3A_73 : i1 to i32
      %cond3A_75 = arith.constant 0 : i32
      %cond3A_76 = arith.cmpi ne, %convert_element_type3A_74, %cond3A_75 : i32
      scf.if %cond3A_76 {
        %slice3A_77 = vector.extract_strided_slice %get3A_38 {offsets = [16, 0], sizes = [16, 16], strides = [1, 1]} : vector<32x16xi32> to vector<16x16xi32>
        %jit3A_78 = arith.constant 0 : i32
        %broadcast_in_dim3A_79 = vector.broadcast %jit3A_78 : i32 to vector<16x16xi32>
        %select_n3A_80 = arith.select %eq3A_35, %slice3A_77, %broadcast_in_dim3A_79 : vector<16x16xi1>, vector<16x16xi32>
        %reduce_sum3A_81 = arith.constant dense<0> : vector<16xi32>
        %reduce_sum3A_82 = vector.multi_reduction <add>, %select_n3A_80, %reduce_sum3A_81 [1] : vector<16x16xi32> to vector<16xi32>
        %broadcast_in_dim3A_83 = vector.shape_cast %reduce_sum3A_82 : vector<16xi32> to vector<16x1xi32>
        %convert_element_type3A_84 = arith.sitofp %broadcast_in_dim3A_83 : vector<16x1xi32> to vector<16x1xf32>
        %iota3A_85 = tpu.iota {dimensions = array<i32: 1>} : vector<16x8192xi32>
        %broadcast_in_dim3A_86 = arith.constant 0 : i32
        %broadcast_in_dim3A_87 = vector.broadcast %broadcast_in_dim3A_86 : i32 to vector<16x1xi32>
        %broadcast_in_dim3A_88 = arith.constant 8191 : i32
        %broadcast_in_dim3A_89 = vector.broadcast %broadcast_in_dim3A_88 : i32 to vector<16x1xi32>
        %scan3A = arith.constant 0 : i32
        %scan3A_90 = arith.constant 13 : i32
        %scan3A_91 = arith.addi %scan3A, %scan3A_90 : i32
        %scan3A_92 = arith.constant 1 : i32
        %scan3A_93:2 = scf.for %scan3A_97 = %scan3A to %scan3A_91 step %scan3A_92 iter_args(%scan3A_98 = %broadcast_in_dim3A_87, %scan3A_99 = %broadcast_in_dim3A_89) -> (vector<16x1xi32>, vector<16x1xi32>)  : i32 {
          %add3A_100 = arith.addi %scan3A_98, %scan3A_99 : vector<16x1xi32>
          %shift_right_arithmetic3A = arith.constant 1 : i32
          %shift_right_arithmetic3A_101 = vector.broadcast %shift_right_arithmetic3A : i32 to vector<16x1xi32>
          %shift_right_arithmetic3A_102 = arith.shrsi %add3A_100, %shift_right_arithmetic3A_101 : vector<16x1xi32>
          %get3A_103 = arith.constant 0 : index
          %get3A_104 = arith.constant 0 : index
          %get3A_105 = vector.load %arg1[%get3A_103, %get3A_104] : memref<16x8192xi32, #tpu.memory_space<vmem>>, vector<16x8192xi32>
          %eq3A_106 = vector.broadcast %broadcast_in_dim3A_42 : vector<16x1xi32> to vector<16x8192xi32>
          %eq3A_107 = arith.cmpi eq, %get3A_105, %eq3A_106 : vector<16x8192xi32>
          %le3A_108 = vector.broadcast %shift_right_arithmetic3A_102 : vector<16x1xi32> to vector<16x8192xi32>
          %le3A_109 = arith.cmpi sle, %iota3A_85, %le3A_108 : vector<16x8192xi32>
          %and3A_110 = arith.andi %eq3A_107, %le3A_109 : vector<16x8192xi1>
          %convert_element_type3A_111 = arith.extui %and3A_110 : vector<16x8192xi1> to vector<16x8192xi32>
          %convert_element_type3A_112 = arith.sitofp %convert_element_type3A_111 : vector<16x8192xi32> to vector<16x8192xf32>
          %reduce_sum3A_113 = arith.constant dense<0.000000e+00> : vector<16xf32>
          %reduce_sum3A_114 = vector.multi_reduction <add>, %convert_element_type3A_112, %reduce_sum3A_113 [1] : vector<16x8192xf32> to vector<16xf32>
          %broadcast_in_dim3A_115 = vector.shape_cast %reduce_sum3A_114 : vector<16xf32> to vector<16x1xf32>
          %ge3A_116 = arith.cmpf oge, %broadcast_in_dim3A_115, %convert_element_type3A_84 : vector<16x1xf32>
          %add3A_117 = arith.constant 1 : i32
          %add3A_118 = vector.broadcast %add3A_117 : i32 to vector<16x1xi32>
          %add3A_119 = arith.addi %shift_right_arithmetic3A_102, %add3A_118 : vector<16x1xi32>
          %select_n3A_120 = arith.select %ge3A_116, %scan3A_98, %add3A_119 : vector<16x1xi1>, vector<16x1xi32>
          %select_n3A_121 = arith.select %ge3A_116, %shift_right_arithmetic3A_102, %scan3A_99 : vector<16x1xi1>, vector<16x1xi32>
          scf.yield %select_n3A_120, %select_n3A_121 : vector<16x1xi32>, vector<16x1xi32>
        }
        %swap3A_94 = arith.constant 0 : index
        %swap3A_95 = arith.constant 0 : index
        %swap3A_96 = vector.load %arg7[%swap3A_94, %swap3A_95] : memref<16x1xi32, #tpu.memory_space<vmem>>, vector<16x1xi32>
        tpu.vector_store %arg7[%swap3A_94, %swap3A_95], %scan3A_93#0 {strides = array<i32>} : memref<16x1xi32, #tpu.memory_space<vmem>>, vector<16x1xi32>,
      } else {
      }
    } else {
    }
    %get3A = arith.constant 0 : index
    %get3A_2 = arith.constant 0 : index
    %get3A_3 = vector.load %arg6[%get3A, %get3A_2] : memref<16x1xi32, #tpu.memory_space<vmem>>, vector<16x1xi32>
    %get3A_4 = arith.constant 0 : index
    %get3A_5 = arith.constant 0 : index
    %get3A_6 = vector.load %arg7[%get3A_4, %get3A_5] : memref<16x1xi32, #tpu.memory_space<vmem>>, vector<16x1xi32>
    %get3A_7 = arith.constant 0 : index
    %get3A_8 = arith.constant 0 : index
    %get3A_9 = vector.load %arg2[%get3A_7, %get3A_8] : memref<16x512xi32, #tpu.memory_space<vmem>>, vector<16x512xi32>
    %bitcast_convert_type3A = tpu.bitcast %get3A_9 : vector<16x512xi32> -> vector<16x512xf32>
    %mul3A = arith.constant 512 : i32
    %mul3A_10 = arith.muli %arg0, %mul3A : i32
    %iota3A = tpu.iota {dimensions = array<i32: 1>} : vector<16x512xi32>
    %add3A = vector.broadcast %mul3A_10 : i32 to vector<16x512xi32>
    %add3A_11 = arith.addi %add3A, %iota3A : vector<16x512xi32>
    %gt3A = vector.broadcast %get3A_3 : vector<16x1xi32> to vector<16x512xi32>
    %gt3A_12 = arith.cmpi sgt, %get3A_9, %gt3A : vector<16x512xi32>
    %eq3A_13 = vector.broadcast %get3A_3 : vector<16x1xi32> to vector<16x512xi32>
    %eq3A_14 = arith.cmpi eq, %get3A_9, %eq3A_13 : vector<16x512xi32>
    %le3A = vector.broadcast %get3A_6 : vector<16x1xi32> to vector<16x512xi32>
    %le3A_15 = arith.cmpi sle, %add3A_11, %le3A : vector<16x512xi32>
    %and3A = arith.andi %eq3A_14, %le3A_15 : vector<16x512xi1>
    %or3A = arith.ori %gt3A_12, %and3A : vector<16x512xi1>
    %convert_element_type3A_16 = arith.extui %or3A : vector<16x512xi1> to vector<16x512xi32>
    %convert_element_type3A_17 = arith.sitofp %convert_element_type3A_16 : vector<16x512xi32> to vector<16x512xf32>
    %mul3A_18 = arith.mulf %convert_element_type3A_17, %bitcast_convert_type3A : vector<16x512xf32>
    %reduce_sum3A = arith.constant dense<0.000000e+00> : vector<512xf32>
    %reduce_sum3A_19 = vector.multi_reduction <add>, %mul3A_18, %reduce_sum3A [0] : vector<16x512xf32> to vector<512xf32>
    %broadcast_in_dim3A = vector.shape_cast %reduce_sum3A_19 : vector<512xf32> to vector<1x512xf32>
    %add3A_20 = arith.constant 1.000000e-10 : f32
    %add3A_21 = vector.broadcast %add3A_20 : f32 to vector<1x512xf32>
    %add3A_22 = arith.addf %broadcast_in_dim3A, %add3A_21 : vector<1x512xf32>
    %div3A = vector.broadcast %add3A_22 : vector<1x512xf32> to vector<16x512xf32>
    %div3A_23 = arith.divf %mul3A_18, %div3A : vector<16x512xf32>
    %transpose3A = tpu.transpose %div3A_23, [1, 0] : vector<16x512xf32> -> vector<512x16xf32>
    %reshape3A = vector.shape_cast %transpose3A : vector<512x16xf32> to vector<1x512x16xf32>
    %swap3A = arith.constant 0 : index
    %swap3A_24 = arith.constant 0 : index
    %swap3A_25 = arith.constant 0 : index
    %swap3A_26 = vector.load %arg4[%swap3A, %swap3A_24, %swap3A_25] : memref<1x512x16xf32, #tpu.memory_space<vmem>>, vector<1x512x16xf32>
    tpu.vector_store %arg4[%swap3A, %swap3A_24, %swap3A_25], %reshape3A {strides = array<i32>} : memref<1x512x16xf32, #tpu.memory_space<vmem>>, vector<1x512x16xf32>,
    %transpose3A_27 = tpu.transpose %convert_element_type3A_17, [1, 0] : vector<16x512xf32> -> vector<512x16xf32>
    %reshape3A_28 = vector.shape_cast %transpose3A_27 : vector<512x16xf32> to vector<1x512x16xf32>
    %swap3A_29 = arith.constant 0 : index
    %swap3A_30 = arith.constant 0 : index
    %swap3A_31 = arith.constant 0 : index
    %swap3A_32 = vector.load %arg5[%swap3A_29, %swap3A_30, %swap3A_31] : memref<1x512x16xf32, #tpu.memory_space<vmem>>, vector<1x512x16xf32>
    tpu.vector_store %arg5[%swap3A_29, %swap3A_30, %swap3A_31], %reshape3A_28 {strides = array<i32>} : memref<1x512x16xf32, #tpu.memory_space<vmem>>, vector<1x512x16xf32>,
    return
  }
  func.func @transform_0(%arg0: i32) -> (i32, i32) {
    %c0_i32 = arith.constant 0 : i32
    %c0_i32_0 = arith.constant 0 : i32
    %c0_i32_1 = arith.constant 0 : i32
    return %c0_i32, %c0_i32_0 : i32, i32
  }
  func.func @transform_1(%arg0: i32) -> (i32, i32) {
    %c0_i32 = arith.constant 0 : i32
    %c0_i32_0 = arith.constant 0 : i32
    return %c0_i32, %arg0 : i32, i32
  }
  func.func @transform_2(%arg0: i32) -> (i32, i32) {
    %c0_i32 = arith.constant 0 : i32
    %c0_i32_0 = arith.constant 0 : i32
    %c0_i32_1 = arith.constant 0 : i32
    return %c0_i32, %c0_i32_0 : i32, i32
  }
  func.func @transform_3(%arg0: i32) -> (i32, i32, i32) {
    %jit3A = arith.constant 4 : i32
    %div3A = arith.divsi %arg0, %jit3A : i32
    %sign3A = arith.constant 0 : i32
    %sign3A_0 = arith.cmpi sgt, %arg0, %sign3A : i32
    %sign3A_1 = arith.extui %sign3A_0 : i1 to i32
    %sign3A_2 = arith.constant 0 : i32
    %sign3A_3 = arith.cmpi slt, %arg0, %sign3A_2 : i32
    %sign3A_4 = arith.extui %sign3A_3 : i1 to i32
    %sign3A_5 = arith.subi %sign3A_1, %sign3A_4 : i32
    %sign3A_6 = arith.constant 0 : i32
    %sign3A_7 = arith.cmpi sgt, %jit3A, %sign3A_6 : i32
    %sign3A_8 = arith.extui %sign3A_7 : i1 to i32
    %sign3A_9 = arith.constant 0 : i32
    %sign3A_10 = arith.cmpi slt, %jit3A, %sign3A_9 : i32
    %sign3A_11 = arith.extui %sign3A_10 : i1 to i32
    %sign3A_12 = arith.subi %sign3A_8, %sign3A_11 : i32
    %ne3A = arith.cmpi ne, %sign3A_5, %sign3A_12 : i32
    %rem3A = arith.remsi %arg0, %jit3A : i32
    %ne3A_13 = arith.constant 0 : i32
    %ne3A_14 = arith.cmpi ne, %rem3A, %ne3A_13 : i32
    %and3A = arith.andi %ne3A, %ne3A_14 : i1
    %sub3A = arith.constant 1 : i32
    %sub3A_15 = arith.subi %div3A, %sub3A : i32
    %select_n3A = arith.select %and3A, %sub3A_15, %div3A : i32
    %jit3A_16 = arith.constant 4 : i32
    %eq3A = arith.constant 0 : i32
    %eq3A_17 = arith.cmpi eq, %jit3A_16, %eq3A : i32
    %jit3A_18 = arith.constant 1 : i32
    %select_n3A_19 = arith.select %eq3A_17, %jit3A_18, %jit3A_16 : i32
    %rem3A_20 = arith.remsi %arg0, %select_n3A_19 : i32
    %ne3A_21 = arith.constant 0 : i32
    %ne3A_22 = arith.cmpi ne, %rem3A_20, %ne3A_21 : i32
    %lt3A = arith.constant 0 : i32
    %lt3A_23 = arith.cmpi slt, %rem3A_20, %lt3A : i32
    %lt3A_24 = arith.constant 0 : i32
    %lt3A_25 = arith.cmpi slt, %select_n3A_19, %lt3A_24 : i32
    %ne3A_26 = arith.xori %lt3A_23, %lt3A_25 : i1
    %and3A_27 = arith.andi %ne3A_26, %ne3A_22 : i1
    %add3A = arith.addi %rem3A_20, %select_n3A_19 : i32
    %select_n3A_28 = arith.select %and3A_27, %add3A, %rem3A_20 : i32
    %c0_i32 = arith.constant 0 : i32
    %c0_i32_29 = arith.constant 0 : i32
    return %select_n3A, %select_n3A_28, %c0_i32 : i32, i32, i32
  }
  func.func @transform_4(%arg0: i32) -> (i32, i32, i32) {
    %jit3A = arith.constant 4 : i32
    %div3A = arith.divsi %arg0, %jit3A : i32
    %sign3A = arith.constant 0 : i32
    %sign3A_0 = arith.cmpi sgt, %arg0, %sign3A : i32
    %sign3A_1 = arith.extui %sign3A_0 : i1 to i32
    %sign3A_2 = arith.constant 0 : i32
    %sign3A_3 = arith.cmpi slt, %arg0, %sign3A_2 : i32
    %sign3A_4 = arith.extui %sign3A_3 : i1 to i32
    %sign3A_5 = arith.subi %sign3A_1, %sign3A_4 : i32
    %sign3A_6 = arith.constant 0 : i32
    %sign3A_7 = arith.cmpi sgt, %jit3A, %sign3A_6 : i32
    %sign3A_8 = arith.extui %sign3A_7 : i1 to i32
    %sign3A_9 = arith.constant 0 : i32
    %sign3A_10 = arith.cmpi slt, %jit3A, %sign3A_9 : i32
    %sign3A_11 = arith.extui %sign3A_10 : i1 to i32
    %sign3A_12 = arith.subi %sign3A_8, %sign3A_11 : i32
    %ne3A = arith.cmpi ne, %sign3A_5, %sign3A_12 : i32
    %rem3A = arith.remsi %arg0, %jit3A : i32
    %ne3A_13 = arith.constant 0 : i32
    %ne3A_14 = arith.cmpi ne, %rem3A, %ne3A_13 : i32
    %and3A = arith.andi %ne3A, %ne3A_14 : i1
    %sub3A = arith.constant 1 : i32
    %sub3A_15 = arith.subi %div3A, %sub3A : i32
    %select_n3A = arith.select %and3A, %sub3A_15, %div3A : i32
    %jit3A_16 = arith.constant 4 : i32
    %eq3A = arith.constant 0 : i32
    %eq3A_17 = arith.cmpi eq, %jit3A_16, %eq3A : i32
    %jit3A_18 = arith.constant 1 : i32
    %select_n3A_19 = arith.select %eq3A_17, %jit3A_18, %jit3A_16 : i32
    %rem3A_20 = arith.remsi %arg0, %select_n3A_19 : i32
    %ne3A_21 = arith.constant 0 : i32
    %ne3A_22 = arith.cmpi ne, %rem3A_20, %ne3A_21 : i32
    %lt3A = arith.constant 0 : i32
    %lt3A_23 = arith.cmpi slt, %rem3A_20, %lt3A : i32
    %lt3A_24 = arith.constant 0 : i32
    %lt3A_25 = arith.cmpi slt, %select_n3A_19, %lt3A_24 : i32
    %ne3A_26 = arith.xori %lt3A_23, %lt3A_25 : i1
    %and3A_27 = arith.andi %ne3A_26, %ne3A_22 : i1
    %add3A = arith.addi %rem3A_20, %select_n3A_19 : i32
    %select_n3A_28 = arith.select %and3A_27, %add3A, %rem3A_20 : i32
    %c0_i32 = arith.constant 0 : i32
    %c0_i32_29 = arith.constant 0 : i32
    return %select_n3A, %select_n3A_28, %c0_i32 : i32, i32, i32
  }
}

</mosaic_0001>

<sc_bundles>
// kernel: kernel.5.cloned.1.call-start
scs
__scs_entry_jumppad:
0x0: {  	(pc) =	sbr.rel $0x88, $3  }
0x1: {  	(tag) =	ssettag $0x0;
	lr =	simm.s32 $0x1  }
0x2: {  	[smem:$0x3F9F] =	sst lr;
	_ =	strace $0xD0000000  }
0x3: {  	_ = 	snop  }
0x4: {  	_ = 	snop  }
0x5: {  	_ = 	snop  }
0x6: {  	_ = 	snop  }
0x7: {  	_ = 	snop  }
__scs_overlays_trampoline_lowered:
0x8: {  	[smem:$0x3FAE] =	sst s0  }
0x9: {  	[smem:$0x3FAF] =	sst s1  }
0xa: {  	[smem:$0x3FB0] =	sst s2  }
0xb: {  	[smem:$0x3FB1] =	sst s3  }
0xc: {  	[smem:$0x3FB2] =	sst s4  }
0xd: {  	[smem:$0x3FB3] =	sst s5  }
0xe: {  	[smem:$0x3FB4] =	sst s6  }
0xf: {  	[smem:$0x3FB5] =	sst s7  }
0x10: {  	[smem:$0x3FB6] =	sst s8  }
0x11: {  	[smem:$0x3FB7] =	sst s9;
	s0 =	simm.s32 @!p0 $0x0  }
0x12: {  	s1 =	sld [smem:$0x3F9D];
	s0 =	simm.s32 @p0 $0x1  }
0x13: {  	[smem:$0x3FB8] =	sst s0;
	s0 =	simm.s32 @!p1 $0x0  }
0x14: {  	s2 =	sld [smem:$0x3F9C];
	s0 =	simm.s32 @p1 $0x1  }
0x15: {  	[smem:$0x3FB9] =	sst s0;
	s0 =	simm.s32 @!p2 $0x0  }
0x16: {  	s3 =	sld [smem:$0x3FDB];
	s0 =	simm.s32 @p2 $0x1  }
0x17: {  	s4 =	simm.s32 $0x1BF5;
	[smem:$0x3FBB] =	sst s0  }
0x18: {  	s0 =	sld [smem:$0x3F9E];
	_ =	swait.ge [sflag:s4], $0x0  }
0x19: {  	s7 =	sld [smem:$0x3F9F]  }
0x1a: {  	s8 =	sadd.s32 $0xFFFFE003, lr  }
0x1b: {  	s9 =	sadd.s32 $0xFFFFFEF7, lr;
	s5 =	simm.s32 $0xFFFFFFFF;
	p2 =	slt.u32 s8, $0xFFFFF086  }
0x1c: {  	p1 =	slt.u32 s9, $0xF7A;
	s5 =	simm.s32 @!p2 $0x0  }
0x1d: {  	s5 =	simm.s32 @p1 $0x1;
	p0 =	seq.s32 s7, s2  }
0x1e: {  	s7 =	smul.u32 @!p0 $0xF7A, s2;
	p2 =	seq.s32 @!p0 s5, $0x0  }
0x1f: {  	s9 =	smul.u32 $0xF7A, s1;
	s8 =	simm.s32 @!p0 $0x1BF5;
	p2 =	por !p2, p0  }
0x20: {  	[sflag:s8] =	ssyncset.s32 @!p0 $0xFFFFF086;
	s6 =	sadd.s32 @!p0 s3, s7;
	s7 =	simm.s32 @!p0 $0x108  }
0x21: {  	s3 =	sadd.s32 s3, s9;
	s6 =	sadd.s32 @!p0 $0x88, s6;
	s7 =	simm.s32 @p2 $0x1082  }
0x22: {  	[simem:s7], [sflag:s8] =	dma.local @!p0 [hbm:s6], $0xF7A  }
0x23: {  	s9 =	sor.u32 $0xD0000000, s2;
	s6 =	simm.s32 $0x108;
	_ =	swait.ge @!p0 [sflag:s8], $0x0  }
0x24: {  	s3 =	sadd.s32 $0x88, s3;
	s6 =	simm.s32 @!p1 $0x1082;
	[sflag:s4] =	ssyncset.s32 $0xFFFFF086  }
0x25: {  	[simem:s6], [sflag:s4] =	dma.local [hbm:s3], $0xF7A  }
0x26: {  	[smem:$0x3F9F] =	sst s1;
	(tag) =	ssettag s2;
	_ =	strace s9  }
0x27: {  	s1 =	sld [smem:$0x3FAF]  }
0x28: {  	s2 =	sld [smem:$0x3FB0]  }
0x29: {  	s4 =	sld [smem:$0x3FB2]  }
0x2a: {  	p0 =	seq.s32 s5, $0x0;
	s5 =	sld [smem:$0x3FB3]  }
0x2b: {  	s6 =	sld [smem:$0x3FB4]  }
0x2c: {  	s7 =	sld [smem:$0x3FB5]  }
0x2d: {  	s3 =	simm.s32 $0x108;
	s8 =	sld [smem:$0x3FB6]  }
0x2e: {  	s3 =	simm.s32 @!p0 $0x1082;
	s9 =	sld [smem:$0x3FB7]  }
0x2f: {  	lr =	sadd.s32 s0, s3;
	s0 =	sld [smem:$0x3FAE]  }
0x30: {  	s3 =	sld [smem:$0x3FB1]  }
0x31: {  	[smem:$0x3FBA] =	sst s10  }
0x32: {  	s10 =	sld [smem:$0x3FB8];
	_ =	sdelay $0x3  }
0x33: {  	p0 =	seq.s32 s10, $0x1;
	s10 =	sld [smem:$0x3FBA];
	_ =	sdelay $0x3  }
0x34: {  	[smem:$0x3FBA] =	sst s10  }
0x35: {  	s10 =	sld [smem:$0x3FB9];
	_ =	sdelay $0x3  }
0x36: {  	p1 =	seq.s32 s10, $0x1;
	s10 =	sld [smem:$0x3FBA];
	_ =	sdelay $0x3  }
0x37: {  	[smem:$0x3FBA] =	sst s10  }
0x38: {  	s10 =	sld [smem:$0x3FBB]  }
0x39: {  	_ = 	snop;
	(pc) =	sbr.ind lr, $3  }
0x3a: {  	_ = 	snop  }
0x3b: {  	_ = 	snop  }
0x3c: {  	p2 =	seq.s32 s10, $0x1;
	s10 =	sld [smem:$0x3FBA]  }
0x3d: {  	_ =	shalt  }
0x3e: {  	_ =	shalt  }
0x3f: {  	_ =	shalt  }
0x40: {  	_ =	shalt  }
0x41: {  	_ =	shalt  }
0x42: {  	_ =	shalt  }
0x43: {  	_ =	shalt  }
0x44: {  	_ =	shalt  }
0x45: {  	_ =	shalt  }
0x46: {  	_ =	shalt  }
0x47: {  	_ =	shalt  }
0x48: {  	_ =	shalt  }
0x49: {  	_ =	shalt  }
0x4a: {  	_ =	shalt  }
0x4b: {  	_ =	shalt  }
0x4c: {  	_ =	shalt  }
0x4d: {  	_ =	shalt  }
0x4e: {  	_ =	shalt  }
0x4f: {  	_ =	shalt  }
0x50: {  	_ =	shalt  }
0x51: {  	_ =	shalt  }
0x52: {  	_ =	shalt  }
0x53: {  	_ =	shalt  }
0x54: {  	_ =	shalt  }
0x55: {  	_ =	shalt  }
0x56: {  	_ =	shalt  }
0x57: {  	_ =	shalt  }
0x58: {  	_ =	shalt  }
0x59: {  	_ =	shalt  }
0x5a: {  	_ =	shalt  }
0x5b: {  	_ =	shalt  }
0x5c: {  	_ =	shalt  }
0x5d: {  	_ =	shalt  }
0x5e: {  	_ =	shalt  }
0x5f: {  	_ =	shalt  }
0x60: {  	_ =	shalt  }
0x61: {  	_ =	shalt  }
0x62: {  	_ =	shalt  }
0x63: {  	_ =	shalt  }
0x64: {  	_ =	shalt  }
0x65: {  	_ =	shalt  }
0x66: {  	_ =	shalt  }
0x67: {  	_ =	shalt  }
0x68: {  	_ =	shalt  }
0x69: {  	_ =	shalt  }
0x6a: {  	_ =	shalt  }
0x6b: {  	_ =	shalt  }
0x6c: {  	_ =	shalt  }
0x6d: {  	_ =	shalt  }
0x6e: {  	_ =	shalt  }
0x6f: {  	_ =	shalt  }
0x70: {  	_ =	shalt  }
0x71: {  	_ =	shalt  }
0x72: {  	_ =	shalt  }
0x73: {  	_ =	shalt  }
0x74: {  	_ =	shalt  }
0x75: {  	_ =	shalt  }
0x76: {  	_ =	shalt  }
0x77: {  	_ =	shalt  }
0x78: {  	_ =	shalt  }
0x79: {  	_ =	shalt  }
0x7a: {  	_ =	shalt  }
0x7b: {  	_ =	shalt  }
0x7c: {  	_ =	shalt  }
0x7d: {  	_ =	shalt  }
0x7e: {  	_ =	shalt  }
0x7f: {  	_ =	shalt  }
0x80: {  	_ =	shalt  }
0x81: {  	_ =	shalt  }
0x82: {  	_ =	shalt  }
0x83: {  	_ =	shalt  }
0x84: {  	_ =	shalt  }
0x85: {  	_ =	shalt  }
0x86: {  	_ =	shalt  }
0x87: {  	_ =	shalt  }
.Lfunc_end0:
.L_simem_size_0:
called_computation_lowered:
.L_overlay_start_0:
0x88: {  	s2 =	sld [smem:$0x3FD9]  }
0x89: {  	s3 =	sld [smem:$0x3FFE];
	_ =	sdelay $0x1  }
0x8a: {  	s1 =	srdreg.scid  }
0x8b: {  	s0 =	sand.u32 $0x1, s1  }
0x8c: {  	s15 =	sshll.u32 s0, $0xA;
	s2 =	sadd.s32 s3, s2  }
0x8d: {  	s2 =	sadd.s32 s2, s15  }
0x8e: {  	[smem:$0x3FC6] =	sst s2  }
0x8f: {  	_ = 	snop  }
0x90: {  	s2 =	sld [smem:$0x3FD0];
	_ =	sdelay $0x2  }
0x91: {  	s16 =	simm.s32 $0xA;
	s4 =	simm.s32 $0x10  }
0x92: {  	[smem:s4], [sflag:s16] =	dma.local [hbm:s2], $0x1  }
0x93: {  	_ =	swait.eq [sflag:s16], $0x1  }
0x94: {  	[sflag:s16] =	ssyncset.done $0x0  }
0x95: {  	s17 =	sld [smem:$0x10];
	[sflag:s16] =	ssyncadd.s32 $0xFFFFFFFF  }
0x96: {  	s18 =	sld [smem:$0x11];
	(tm) =	ssettm $0x1  }
0x97: {  	s19 =	sld [smem:$0x3FFB];
	_ =	sdelay $0x3  }
0x98: {  	_ =	strace s19  }
0x99: {  	s4 =	sld [smem:$0x3FFC];
	_ =	sdelay $0x3  }
0x9a: {  	_ =	strace s4  }
0x9b: {  	s4 =	sld [smem:$0x3FFD];
	_ =	sdelay $0x3  }
0x9c: {  	_ =	strace s4  }
0x9d: {  	_ =	strace $0x8FFFFFFF  }
0x9e: {  	s20 =	sld [smem:$0x3FDB];
	_ =	sdelay $0x1  }
0x9f: {  	s5 =	simm.s32 $_scs_section_size  }
0xa0: {  	s6 =	simm.s32 $_size__tile_overlayer_lowered;
	s7 =	simm.s32 $_tile_overlayer_lowered  }
0xa1: {  	s23 =	simm.s32 $0x1BFF;
	s22 =	sshll.u32 s7, $0x1;
	s4 =	sadd.s32 s5, s20  }
0xa2: {  	s8 =	simm.s32 $0x0;
	s21 =	sshll.u32 s6, $0x1;
	s6 =	sadd.s32 s22, s4  }
0xa3: {  	[timem:s8], [sflag:s23] =	dma.local [hbm:s6], s21  }
0xa4: {  	_ =	swait.ge [sflag:s23], s21  }
0xa5: {  	s5 =	ssub.s32 $0x0, s21;
	[sflag:s23] =	ssyncset.done $0x0  }
0xa6: {  	[sflag:s23] =	ssyncadd.s32 s5;
	_ =	sdelay $0x1  }
0xa7: {  	s24 =	simm.s32 $0x1B8B  }
0xa8: {  	_ =	swait.ge [sflag:s24], $0x1  }
0xa9: {  	[sflag:s24] =	ssyncset.done $0x0  }
0xaa: {  	s25 =	simm.s32 $0x1B8E;
	[sflag:s24] =	ssyncadd.s32 $0xFFFFFFFF  }
0xab: {  	s26 =	simm.s32 $execute0_lowered;
	[smem:$0x3FD2] =	sst s25  }
0xac: {  	s5 =	sshll.u32 s26, $0x1;
	_ =	strace $0x80000046;
	[dreg:$0x1] =	wrdreg $0xFFFFFFFF  }
0xad: {  	s28 =	simm.s32 $_size_execute0_lowered;
	s4 =	sadd.s32 s4, s5;
	[dreg:$0x0] =	wrdreg $0x0  }
0xae: {  	s5 =	sshll.u32 s28, $0x1;
	[dreg:$0x2] =	wrdreg s4  }
0xaf: {  	[dreg:$0x3] =	wrdreg s5  }
0xb0: {  	[dreg:$0x4] =	wrdreg $0xC0  }
0xb1: {  	_ =	task [dreg:s8], $0x5FFFF  }
0xb2: {  	[dreg:$0x1] =	wrdreg $0xFFFFFFFF  }
0xb3: {  	[dreg:$0x0] =	wrdreg $0x60  }
0xb4: {  	[dreg:$0x2] =	wrdreg s18  }
0xb5: {  	[dreg:$0x3] =	wrdreg s17  }
0xb6: {  	[dreg:$0x4] =	wrdreg $0x9  }
0xb7: {  	_ =	task.clear_ibuf [dreg:s8], $0x5FFFF;
	_ =	strace $0x90000046  }
0xb8: {  	s29 =	simm.s32 $0x9;
	_ =	strace $0x80000048  }
0xb9: {  	_ =	swait.ge [sflag:s29], $0x1  }
0xba: {  	[sflag:s29] =	ssyncadd.s32 $0xFFFFFFFF  }
0xbb: {  	_ =	strace $0x90000048  }
0xbc: {  	_ =	sfence  }
0xbd: {  	s30 =	sld [smem:$0x0];
	_ =	sdelay $0x2  }
0xbe: {  	s31 =	sshll.u32 s1, $0xD;
	s1 =	sshrl.u32 s1, $0x2  }
0xbf: {  	s3 =	sand.u32 $0x4000, s31;
	s1 =	sadd.s32 s1, s30  }
0xc0: {  	s0 =	sor.u32 s3, s0;
	s1 =	sshll.u32 s1, $0x11  }
0xc1: {  	s0 =	sor.u32 s1, s0  }
0xc2: {  	s0 =	sadd.s32 $0x8F2B, s0  }
0xc3: {  	[sflag:s0] =	ssyncadd.remote.s32 $0x1  }
0xc4: {  	_ =	sfence.sel $0xFFFF  }
0xc5: {  	[dreg:$0x0] =	wrdreg $0xFFFFFFFF;
	(pc) =	sbr.abs _section_cstart, $3  }
0xc6: {  	[dreg:$0x1] =	wrdreg $0xFFFFFFFF  }
0xc7: {  	_ =	task.clear_ibuf [dreg:s8], $0x2FFFF;
	_ =	strace $0x9FFFFFFF  }
0xc8: {  	(tm) =	ssettm $0x7FFFFFFF  }
0xc9: {  	_ =	shalt  }
tec
execute0_lowered:
.L_overlay_start_1:
0x0: {  	(tag) =	ssettag $0x1  }
0x1: {  	s1 =	stileid.u32  }
0x2: {  	p0 =	sgt.u32 s1, $0x7  }
.Ltmp0:
0x3: {  	_ = 	snop;
	(pc) =	sbr.rel @p0 .LBB2_15-.Ltmp0, $4  }
0x4: {  	s5 =	rddreg [dreg:$0x0]  }
0x5: {  	s3 =	rddreg [dreg:$0x1];
	s2 =	simm.s32 $0x0  }
0x6: {  	[smem:$0x7FF] =	sst s2  }
0x7: {  	s0 =	rddreg [dreg:$0x2];
	_ =	strace $0x80000047  }
0x8: {  	s4 =	srdreg.scid;
	s31 =	sshll.u32 s1, $0x1;
	s8 =	sshll.u32 s1, $0xB  }
0x9: {  	s10 =	simm.s32 $0x2000;
	s11 =	simm.s32 $0x2100;
	s12 =	simm.s32 $0x2110  }
0xa: {  	s13 =	simm.s32 $0x0;
	s6 =	sand.u32 $0x1, s4;
	s8 =	sand.u32 $0x2000, s8  }
0xb: {  	s7 =	sor.u32 s6, s31;
	s6 =	ssub.s32 $0x2, s6;
	s5 =	sadd.s32 s5, s8  }
0xc: {  	v0 =	vlaneseq.u32;
	s8 =	simm.s32 $0x400;
	s4 =	sshll.u32 s7, $0x1;
	s9 =	sshrl.u32 s6, $0x1  }
0xd: {  	v2 =	vmul.u32 $0xFFFFFFFF, v0;
	s7 =	sshll.u32 s7, $0x4;
	s3 =	sadd.s32 s3, s4;
	s6 =	ssub.s32 s6, s9  }
0xe: {  	s7 =	sand.u32 $0x70, s7;
	s9 =	simm.s32 $0x1;
	s4 =	sadd.s32 $0x20, s3  }
0xf: {  	v1 =	vimm.s32 $0x1;
	v0 =	vimm.s32 $0x0;
	v2 =	vadd.s32 $0xF, v2;
	s5 =	sadd.s32 s7, s5;
	s6 =	smax.u32 s6, $0x1;
	s7 =	simm.s32 $0x80  }
.LBB2_2:
0x10: {  	[tilespmem:s2], [sflag:$0x1] =	stream.strided.gather [hbm4b:s5+s7], $0x2000, s8, s7, $0x38;
	[tilespmem:$0x2180] =	vst v63  }
0x11: {  	_ =	swait.ge [sflag:s9], $0x2000  }
0x12: {  	[sflag:s9] =	ssyncset.done $0x0  }
0x13: {  	[sflag:s9] =	ssyncadd.s32 $0xFFFFE000  }
0x14: {  	[tilespmem:$0x2000] =	vst v0  }
0x15: {  	[tilespmem:$0x2010] =	vst v0  }
0x16: {  	[tilespmem:$0x2020] =	vst v0  }
0x17: {  	[tilespmem:$0x2030] =	vst v0  }
0x18: {  	[tilespmem:$0x2040] =	vst v0  }
0x19: {  	[tilespmem:$0x2050] =	vst v0  }
0x1a: {  	[tilespmem:$0x2060] =	vst v0  }
0x1b: {  	[tilespmem:$0x2070] =	vst v0  }
0x1c: {  	[tilespmem:$0x2080] =	vst v0  }
0x1d: {  	[tilespmem:$0x2090] =	vst v0  }
0x1e: {  	[tilespmem:$0x20A0] =	vst v0  }
0x1f: {  	[tilespmem:$0x20B0] =	vst v0  }
0x20: {  	[tilespmem:$0x20C0] =	vst v0  }
0x21: {  	[tilespmem:$0x20D0] =	vst v0  }
0x22: {  	[tilespmem:$0x20E0] =	vst v0  }
0x23: {  	s14 =	simm.s32 $0x40;
	[tilespmem:$0x20F0] =	vst v0  }
0x24: {  	v3 =	vld [tilespmem:s14+$0x20]  }
0x25: {  	v4 =	vld [tilespmem:s14+$0xFFFFFFD0]  }
0x26: {  	v5 =	vld [tilespmem:s14+$0xFFFFFFE0]  }
0x27: {  	v13 =	vld [tilespmem:s14+$0xFFFFFFC0]  }
0x28: {  	v7 =	vld [tilespmem:s14+$0x10]  }
0x29: {  	v6 =	vld [tilespmem:s14+$0x0]  }
0x2a: {  	v9 =	vld [tilespmem:s14+$0xFFFFFFF0]  }
0x2b: {  	v8 =	vadd.s32 $0xD0FC0F01, v3;
	v15 =	vadd.s32 $0xD0FC0F01, v4;
	v3 =	vadd.s32 $0xD0FC0F01, v5  }
0x2c: {  	v17 =	vadd.s32 $0xD0FC0F01, v13;
	v4 =	vshrl.u32 v8, $0x19;
	vm0 =	vlt.u32 v8, $0x40000000  }
0x2d: {  	v10 =	vld [tilespmem:s14+$0x30];
	v11 =	vshrl.u32 v15, $0x19;
	v8 =	vadd.s32 $0xD0FC0F01, v7;
	v19 =	vshrl.u32 v17, $0x19  }
0x2e: {  	vm3 =	vlt.u32 v15, $0x40000000;
	v5 =	vand.u32 $0x1F, v4;
	v4 =	vadd.s32 $0xD0FC0F01, v6  }
0x2f: {  	v7 =	vand.u32 $0x1F, v11;
	v11 =	vadd.s32 $0xD0FC0F01, v9;
	v6 =	vor.u32 $0xC0, v5  }
0x30: {  	v9 =	vshrl.u32 v8, $0x19;
	v5 =	vshrl.u32 v3, $0x19;
	v12 =	vshrl.u32 v4, $0x19  }
0x31: {  	v14 =	vshrl.u32 v11, $0x19;
	v18 =	vand.u32 $0x1F, v9;
	v5 =	vand.u32 $0x1F, v5  }
0x32: {  	v16 =	vand.u32 $0x1F, v12;
	v12 =	vadd.s32 $0xD0FC0F01, v10;
	v10 =	vor.u32 $0x20, v7  }
0x33: {  	v13 =	vshrl.u32 v12, $0x19;
	v9 =	vor.u32 $0x40, v5;
	v7 =	vor.u32 $0x80, v16  }
0x34: {  	s15 =	simm.s32 $0xC0;
	s14 =	simm.s32 $0x0;
	v5 =	vor.u32 $0xA0, v18;
	[tilespmem:v6+s10+$0x0] =	vst.idx.add.s32.msk vm0, v1;
	vm0 =	vlt.u32 v17, $0x40000000;
	v6 =	vand.u32 $0x1F, v19  }
.LBB2_3:
0x35: {  	v15 =	vld [tilespmem:s15+$0x20];
	s14 =	sadd.s32 $0x8, s14;
	vm5 =	vlt.u32 v3, $0x40000000;
	vm1 =	vlt.u32 v11, $0x40000000;
	v16 =	vor.u32 $0x60, v14  }
0x36: {  	vm6 =	vlt.u32 v4, $0x40000000;
	vm4 =	vlt.u32 v8, $0x40000000;
	vm2 =	vlt.u32 v12, $0x40000000;
	v3 =	vld [tilespmem:s15+$0xFFFFFFD0];
	p0 =	slt.u32 s14, $0x1F8  }
0x37: {  	v17 =	vor.u32 $0xE0, v13;
	v4 =	vld [tilespmem:s15+$0xFFFFFFE0]  }
0x38: {  	v8 =	vld [tilespmem:s15+$0x0]  }
0x39: {  	v11 =	vld [tilespmem:s15+$0x10]  }
0x3a: {  	v12 =	vld [tilespmem:s15+$0xFFFFFFF0];
	v13 =	vadd.s32 $0xD0FC0F01, v15  }
0x3b: {  	v15 =	vadd.s32 $0xD0FC0F01, v3;
	v14 =	vshrl.u32 v13, $0x19;
	v18 =	vld [tilespmem:s15+$0x30]  }
0x3c: {  	vm7 =	vlt.u32 v13, $0x40000000;
	v19 =	vld [tilespmem:s15+$0xFFFFFFC0];
	v3 =	vadd.s32 $0xD0FC0F01, v4;
	v13 =	vand.u32 $0x1F, v14  }
0x3d: {  	v14 =	vshrl.u32 v15, $0x19;
	v4 =	vadd.s32 $0xD0FC0F01, v8;
	v13 =	vor.u32 $0xC0, v13;
	[tilespmem:v10+s10+$0x0] =	vst.idx.add.s32.msk vm3, v1  }
0x3e: {  	v10 =	vshrl.u32 v3, $0x19;
	v20 =	vshrl.u32 v4, $0x19;
	v8 =	vadd.s32 $0xD0FC0F01, v11;
	[tilespmem:v9+s10+$0x0] =	vst.idx.add.s32.msk vm5, v1  }
0x3f: {  	v9 =	vand.u32 $0x1F, v14;
	v11 =	vadd.s32 $0xD0FC0F01, v12;
	v21 =	vshrl.u32 v8, $0x19;
	[tilespmem:v7+s10+$0x0] =	vst.idx.add.s32.msk vm6, v1  }
.Ltmp1:
0x40: {  	v7 =	vand.u32 $0x1F, v10;
	v20 =	vand.u32 $0x1F, v20;
	v12 =	vadd.s32 $0xD0FC0F01, v18;
	[tilespmem:v5+s10+$0x0] =	vst.idx.add.s32.msk vm4, v1;
	(pc) =	sbr.rel @p0 .LBB2_3-.Ltmp1, $4  }
0x41: {  	v14 =	vshrl.u32 v11, $0x19;
	v5 =	vand.u32 $0x1F, v21;
	v18 =	vadd.s32 $0xD0FC0F01, v19;
	[tilespmem:v6+s10+$0x0] =	vst.idx.add.s32.msk vm0, v1  }
0x42: {  	v10 =	vor.u32 $0x20, v9;
	v6 =	vshrl.u32 v18, $0x19;
	[tilespmem:v13+s10+$0x0] =	vst.idx.add.s32.msk vm7, v1;
	v13 =	vshrl.u32 v12, $0x19  }
0x43: {  	v9 =	vor.u32 $0x40, v7;
	v7 =	vor.u32 $0x80, v20;
	v5 =	vor.u32 $0xA0, v5;
	[tilespmem:v16+s10+$0x0] =	vst.idx.add.s32.msk vm1, v1  }
0x44: {  	s15 =	sadd.s32 $0x80, s15;
	vm3 =	vlt.u32 v15, $0x40000000;
	vm0 =	vlt.u32 v18, $0x40000000;
	v6 =	vand.u32 $0x1F, v6;
	[tilespmem:v17+s10+$0x0] =	vst.idx.add.s32.msk vm2, v1  }
0x45: {  	_ = 	snop  }
0x46: {  	vm1 =	vlt.u32 v3, $0x40000000  }
0x47: {  	vm2 =	vlt.u32 v4, $0x40000000  }
0x48: {  	vm4 =	vlt.u32 v8, $0x40000000  }
0x49: {  	vm5 =	vlt.u32 v11, $0x40000000  }
0x4a: {  	v3 =	vor.u32 $0x60, v14;
	vm6 =	vlt.u32 v12, $0x40000000;
	[tilespmem:v10+s10+$0x0] =	vst.idx.add.s32.msk vm3, v1  }
0x4b: {  	v4 =	vor.u32 $0xE0, v13;
	[tilespmem:v6+s10+$0x0] =	vst.idx.add.s32.msk vm0, v1  }
0x4c: {  	[tilespmem:v9+s10+$0x0] =	vst.idx.add.s32.msk vm1, v1  }
0x4d: {  	[tilespmem:v7+s10+$0x0] =	vst.idx.add.s32.msk vm2, v1  }
0x4e: {  	[tilespmem:v5+s10+$0x0] =	vst.idx.add.s32.msk vm4, v1  }
0x4f: {  	[tilespmem:v3+s10+$0x0] =	vst.idx.add.s32.msk vm5, v1  }
0x50: {  	[tilespmem:v4+s10+$0x0] =	vst.idx.add.s32.msk vm6, v1  }
0x51: {  	v3 =	vld [tilespmem:$0x2000]  }
0x52: {  	v4 =	vld [tilespmem:$0x2010]  }
0x53: {  	v5 =	vld [tilespmem:$0x2020]  }
0x54: {  	v6 =	vld [tilespmem:$0x2030]  }
0x55: {  	v7 =	vld [tilespmem:$0x2040]  }
0x56: {  	v8 =	vld [tilespmem:$0x2050]  }
0x57: {  	v9 =	vld [tilespmem:$0x2060]  }
0x58: {  	v10 =	vld [tilespmem:$0x2070]  }
0x59: {  	v11 =	vld [tilespmem:$0x2080]  }
0x5a: {  	v12 =	vld [tilespmem:$0x2090]  }
0x5b: {  	v13 =	vld [tilespmem:$0x20A0]  }
0x5c: {  	v14 =	vld [tilespmem:$0x20B0];
	[tilespmem:$0x2000] =	vst v0  }
0x5d: {  	v15 =	vld [tilespmem:$0x20C0];
	[tilespmem:$0x2010] =	vst v0  }
0x5e: {  	[tilespmem:$0x2020] =	vst v0;
	v3 =	vadd.s32 v3, v5;
	v5 =	vld [tilespmem:$0x20D0]  }
0x5f: {  	[tilespmem:$0x2030] =	vst v0;
	v4 =	vadd.s32 v4, v6;
	v6 =	vld [tilespmem:$0x20E0];
	v3 =	vadd.s32 v7, v3  }
0x60: {  	[tilespmem:$0x2040] =	vst v0;
	v4 =	vadd.s32 v8, v4;
	v7 =	vld [tilespmem:$0x20F0];
	v3 =	vadd.s32 v9, v3  }
0x61: {  	[tilespmem:$0x2050] =	vst v0;
	v4 =	vadd.s32 v10, v4;
	v3 =	vadd.s32 v11, v3  }
0x62: {  	[tilespmem:$0x2060] =	vst v0;
	v4 =	vadd.s32 v12, v4;
	v3 =	vadd.s32 v13, v3  }
0x63: {  	[tilespmem:$0x2070] =	vst v0;
	v4 =	vadd.s32 v14, v4;
	v3 =	vadd.s32 v15, v3  }
0x64: {  	[tilespmem:$0x2080] =	vst v0;
	v4 =	vadd.s32 v5, v4;
	v5 =	vadd.s32 v6, v3  }
0x65: {  	[tilespmem:$0x2090] =	vst v0;
	v3 =	vadd.s32 v7, v4;
	v4 =	vperm.xlane v5, v2  }
0x66: {  	[tilespmem:$0x20A0] =	vst v0;
	(xrf0) =	vadd.scan.msk.s32 $0xffff, v3  }
0x67: {  	[tilespmem:$0x20B0] =	vst v0;
	v6 =	vperm.xlane v3, v2;
	(xrf0) =	vadd.scan.msk.s32 $0xffff, v4  }
0x68: {  	[tilespmem:$0x20C0] =	vst v0  }
0x69: {  	[tilespmem:$0x20D0] =	vst v0;
	(xrf0) =	vadd.scan.msk.s32 $0xffff, v6  }
0x6a: {  	[tilespmem:$0x20E0] =	vst v0  }
0x6b: {  	s14 =	simm.s32 $0x40;
	[tilespmem:$0x20F0] =	vst v0  }
0x6c: {  	v9 =	vld [tilespmem:s14+$0xFFFFFFE0];
	v4, _, _ =	vpop (xrf0)  }
0x6d: {  	v10 =	vld [tilespmem:s14+$0xFFFFFFF0];
	v6, _, _ =	vpop (xrf0)  }
0x6e: {  	v11 =	vld [tilespmem:s14+$0x10];
	v4 =	vbroadcast v4, $0xF;
	v6 =	vperm.xlane v6, v2  }
0x6f: {  	v12 =	vld [tilespmem:s14+$0x20];
	v7, _, _ =	vpop (xrf0)  }
0x70: {  	v7 =	vperm.xlane v7, v2;
	v4 =	vadd.s32 v6, v4;
	v6 =	vld [tilespmem:s14+$0x30]  }
0x71: {  	v9 =	vadd.s32 $0xD0FC0F01, v9  }
0x72: {  	v10 =	vadd.s32 $0xD0FC0F01, v10;
	vm1 =	vgt.s32 v4, $0x3FF;
	vm0 =	vgt.s32 v7, $0x3FF  }
0x73: {  	v14 =	vld [tilespmem:s14+$0xFFFFFFC0];
	v17 =	vshrl.u32 v9, $0x14;
	v4 =	vmpcnt.ones.xlane vm1;
	v8 =	vmpcnt.ones.xlane vm0  }
0x74: {  	v18 =	vshrl.u32 v10, $0x14;
	v22 =	vadd.s32 $0xD0FC0F01, v11;
	v24 =	vadd.s32 $0xD0FC0F01, v12;
	v7 =	vld [tilespmem:s14+$0xFFFFFFD0]  }
0x75: {  	v9 =	vshra.s32 v9, $0x19;
	v4 =	vadd.s32 v8, v4;
	v6 =	vadd.s32 $0xD0FC0F01, v6  }
0x76: {  	v8 =	vld [tilespmem:s14+$0x0];
	v4 =	vadd.s32 $0xFFFFFFFF, v4;
	v13 =	vshra.s32 v6, $0x19;
	v6 =	vshrl.u32 v6, $0x14  }
0x77: {  	v23 =	vshrl.u32 v22, $0x14;
	vm2 =	veq.s32 v13, v4;
	v6 =	vand.u32 $0x1F, v6  }
0x78: {  	v16 =	vadd.s32 $0xD0FC0F01, v14;
	v12 =	vand.u32 $0x1F, v17;
	v15 =	vor.u32 $0xE0, v6  }
0x79: {  	v17 =	vand.u32 $0x1F, v18;
	v18 =	vshra.s32 v22, $0x19;
	v7 =	vadd.s32 $0xD0FC0F01, v7  }
0x7a: {  	v19 =	vshra.s32 v16, $0x19;
	v14 =	vand.u32 $0x1F, v23;
	v13 =	vshrl.u32 v7, $0x14  }
0x7b: {  	v6 =	vshra.s32 v7, $0x19;
	v7 =	vand.u32 $0x1F, v13;
	v20 =	vadd.s32 $0xD0FC0F01, v8  }
0x7c: {  	v13 =	vshra.s32 v10, $0x19;
	v8 =	vshrl.u32 v24, $0x14;
	v21 =	vshrl.u32 v20, $0x14  }
0x7d: {  	s15 =	simm.s32 $0xC0;
	s14 =	simm.s32 $0x0;
	v10 =	vshra.s32 v20, $0x19;
	v11 =	vand.u32 $0x1F, v21;
	[tilespmem:v15+s10+$0x0] =	vst.idx.add.s32.msk vm2, v1;
	v15 =	vshra.s32 v24, $0x19  }
.LBB2_5:
0x7e: {  	v20 =	vld [tilespmem:s15+$0x30];
	s14 =	sadd.s32 $0x8, s14;
	vm4 =	veq.s32 v19, v4;
	v16 =	vshrl.u32 v16, $0x14;
	v8 =	vand.u32 $0x1F, v8  }
0x7f: {  	vm8 =	veq.s32 v6, v4;
	v6 =	vor.u32 $0x20, v7;
	vm7 =	veq.s32 v9, v4;
	v19 =	vld [tilespmem:s15+$0xFFFFFFD0];
	p0 =	slt.u32 s14, $0x1F8  }
0x80: {  	v9 =	vor.u32 $0x40, v12;
	vm6 =	veq.s32 v13, v4;
	v12 =	vor.u32 $0x60, v17;
	v7 =	vld [tilespmem:s15+$0xFFFFFFE0]  }
0x81: {  	vm5 =	veq.s32 v10, v4;
	v10 =	vor.u32 $0x80, v11;
	vm3 =	veq.s32 v18, v4;
	v13 =	vld [tilespmem:s15+$0xFFFFFFF0]  }
0x82: {  	v14 =	vor.u32 $0xA0, v14;
	vm2 =	veq.s32 v15, v4;
	v21 =	vor.u32 $0xC0, v8;
	v11 =	vld [tilespmem:s15+$0x0]  }
0x83: {  	v16 =	vand.u32 $0x1F, v16;
	v8 =	vld [tilespmem:s15+$0x10];
	v15 =	vadd.s32 $0xD0FC0F01, v20  }
0x84: {  	v17 =	vadd.s32 $0xD0FC0F01, v19;
	v18 =	vld [tilespmem:s15+$0x20];
	v19 =	vshra.s32 v15, $0x19;
	v15 =	vshrl.u32 v15, $0x14  }
0x85: {  	v20 =	vld [tilespmem:s15+$0xFFFFFFC0];
	v22 =	vadd.s32 $0xD0FC0F01, v7;
	vm9 =	veq.s32 v19, v4;
	v7 =	vand.u32 $0x1F, v15  }
0x86: {  	v15 =	vshrl.u32 v17, $0x14;
	v13 =	vadd.s32 $0xD0FC0F01, v13;
	v23 =	vor.u32 $0xE0, v7;
	[tilespmem:v6+s10+$0x0] =	vst.idx.add.s32.msk vm8, v1  }
0x87: {  	v24 =	vshrl.u32 v22, $0x14;
	v25 =	vshrl.u32 v13, $0x14;
	v11 =	vadd.s32 $0xD0FC0F01, v11;
	[tilespmem:v9+s10+$0x0] =	vst.idx.add.s32.msk vm7, v1  }
0x88: {  	v6 =	vshra.s32 v17, $0x19;
	v26 =	vshrl.u32 v11, $0x14;
	v27 =	vadd.s32 $0xD0FC0F01, v8;
	[tilespmem:v16+s10+$0x0] =	vst.idx.add.s32.msk vm4, v1  }
.Ltmp2:
0x89: {  	v7 =	vand.u32 $0x1F, v15;
	v15 =	vshrl.u32 v27, $0x14;
	v28 =	vadd.s32 $0xD0FC0F01, v18;
	[tilespmem:v12+s10+$0x0] =	vst.idx.add.s32.msk vm6, v1;
	(pc) =	sbr.rel @p0 .LBB2_5-.Ltmp2, $4  }
0x8a: {  	v9 =	vshra.s32 v22, $0x19;
	v16 =	vadd.s32 $0xD0FC0F01, v20;
	v8 =	vshrl.u32 v28, $0x14;
	[tilespmem:v10+s10+$0x0] =	vst.idx.add.s32.msk vm5, v1  }
0x8b: {  	v13 =	vshra.s32 v13, $0x19;
	v12 =	vand.u32 $0x1F, v24;
	v19 =	vshra.s32 v16, $0x19;
	[tilespmem:v23+s10+$0x0] =	vst.idx.add.s32.msk vm9, v1  }
0x8c: {  	v17 =	vand.u32 $0x1F, v25;
	v10 =	vshra.s32 v11, $0x19;
	v11 =	vand.u32 $0x1F, v26;
	[tilespmem:v14+s10+$0x0] =	vst.idx.add.s32.msk vm3, v1  }
0x8d: {  	s15 =	sadd.s32 $0x80, s15;
	v18 =	vshra.s32 v27, $0x19;
	v14 =	vand.u32 $0x1F, v15;
	v15 =	vshra.s32 v28, $0x19;
	[tilespmem:v21+s10+$0x0] =	vst.idx.add.s32.msk vm2, v1  }
0x8e: {  	vm2 =	veq.s32 v6, v4  }
0x8f: {  	v6 =	vor.u32 $0x20, v7;
	vm3 =	veq.s32 v9, v4  }
0x90: {  	vm4 =	veq.s32 v19, v4;
	v7 =	vshrl.u32 v16, $0x14;
	v9 =	vor.u32 $0x40, v12  }
0x91: {  	vm5 =	veq.s32 v13, v4;
	v7 =	vand.u32 $0x1F, v7  }
0x92: {  	v12 =	vor.u32 $0x60, v17;
	vm6 =	veq.s32 v10, v4  }
0x93: {  	v10 =	vor.u32 $0x80, v11;
	vm7 =	veq.s32 v18, v4  }
0x94: {  	v8 =	vand.u32 $0x1F, v8;
	v11 =	vor.u32 $0xA0, v14;
	vm8 =	veq.s32 v15, v4;
	[tilespmem:v6+s10+$0x0] =	vst.idx.add.s32.msk vm2, v1  }
0x95: {  	v6 =	vor.u32 $0xC0, v8;
	[tilespmem:v9+s10+$0x0] =	vst.idx.add.s32.msk vm3, v1  }
0x96: {  	[tilespmem:v7+s10+$0x0] =	vst.idx.add.s32.msk vm4, v1  }
0x97: {  	[tilespmem:v12+s10+$0x0] =	vst.idx.add.s32.msk vm5, v1  }
0x98: {  	[tilespmem:v10+s10+$0x0] =	vst.idx.add.s32.msk vm6, v1  }
0x99: {  	[tilespmem:v11+s10+$0x0] =	vst.idx.add.s32.msk vm7, v1  }
0x9a: {  	[tilespmem:v6+s10+$0x0] =	vst.idx.add.s32.msk vm8, v1  }
0x9b: {  	v6 =	vld [tilespmem:$0x2000]  }
0x9c: {  	v7 =	vld [tilespmem:$0x2010]  }
0x9d: {  	v5 =	vsel vm1, $0x0, v5;
	v8 =	vld [tilespmem:$0x2020]  }
0x9e: {  	v3 =	vsel vm0, $0x0, v3;
	(xrf0) =	vadd.scan.msk.s32 $0xffff, v5;
	v5 =	vld [tilespmem:$0x2030]  }
0x9f: {  	(xrf0) =	vadd.scan.msk.s32 $0xffff, v3;
	v3 =	vld [tilespmem:$0x2040]  }
0xa0: {  	v9 =	vld [tilespmem:$0x2050]  }
0xa1: {  	v10 =	vld [tilespmem:$0x2060]  }
0xa2: {  	v11 =	vld [tilespmem:$0x2070]  }
0xa3: {  	v12 =	vld [tilespmem:$0x2080]  }
0xa4: {  	v13, _, _ =	vpop (xrf0);
	v14 =	vld [tilespmem:$0x2090]  }
0xa5: {  	(v2sf) =	vpush v13, $0xF;
	v13, _, _ =	vpop (xrf0);
	v15 =	vld [tilespmem:$0x20A0]  }
0xa6: {  	(v2sf) =	vpush v13, $0xF;
	v13 =	vld [tilespmem:$0x20B0]  }
0xa7: {  	v16 =	vld [tilespmem:$0x20C0];
	[tilespmem:$0x2000] =	vst v0  }
0xa8: {  	[tilespmem:$0x2010] =	vst v0;
	v6 =	vadd.s32 v6, v8;
	v8 =	vld [tilespmem:$0x20D0]  }
0xa9: {  	[tilespmem:$0x2020] =	vst v0;
	v5 =	vadd.s32 v7, v5;
	v3 =	vadd.s32 v3, v6;
	v6 =	vld [tilespmem:$0x20E0]  }
0xaa: {  	[tilespmem:$0x2030] =	vst v0;
	v7 =	vld [tilespmem:$0x20F0];
	v5 =	vadd.s32 v9, v5;
	v3 =	vadd.s32 v10, v3  }
0xab: {  	[tilespmem:$0x2040] =	vst v0;
	v5 =	vadd.s32 v11, v5;
	v3 =	vadd.s32 v12, v3  }
0xac: {  	[tilespmem:$0x2050] =	vst v0;
	v5 =	vadd.s32 v14, v5;
	v3 =	vadd.s32 v15, v3  }
0xad: {  	[tilespmem:$0x2060] =	vst v0;
	v5 =	vadd.s32 v13, v5;
	v3 =	vadd.s32 v16, v3  }
0xae: {  	[tilespmem:$0x2070] =	vst v0;
	v5 =	vadd.s32 v8, v5;
	v6 =	vadd.s32 v6, v3  }
0xaf: {  	[tilespmem:$0x2080] =	vst v0;
	v5 =	vadd.s32 v7, v5;
	v3 =	vperm.xlane v6, v2  }
0xb0: {  	[tilespmem:$0x2090] =	vst v0;
	(xrf0) =	vadd.scan.msk.s32 $0xffff, v5  }
0xb1: {  	[tilespmem:$0x20A0] =	vst v0;
	(xrf0) =	vadd.scan.msk.s32 $0xffff, v3  }
0xb2: {  	[tilespmem:$0x20B0] =	vst v0;
	v3 =	vperm.xlane v5, v2  }
0xb3: {  	[tilespmem:$0x20C0] =	vst v0  }
0xb4: {  	[tilespmem:$0x20D0] =	vst v0;
	s14 =	spop (v2sf);
	(xrf0) =	vadd.scan.msk.s32 $0xffff, v3  }
0xb5: {  	[tilespmem:$0x20F0] =	vst v0;
	s15 =	spop (v2sf)  }
0xb6: {  	s31 =	simm.s32 $0x40;
	[tilespmem:$0x20E0] =	vst v0;
	s14 =	sadd.s32 s15, s14;
	v7, _, _ =	vpop (xrf0)  }
0xb7: {  	v11 =	vld [tilespmem:s31+$0xFFFFFFE0];
	v3 =	vmov s14;
	v8, _, _ =	vpop (xrf0)  }
0xb8: {  	v12 =	vld [tilespmem:s31+$0x10];
	v3 =	vsub.s32 $0x400, v3;
	v7 =	vbroadcast v7, $0xF;
	v8 =	vperm.xlane v8, v2  }
0xb9: {  	v13 =	vld [tilespmem:s31+$0x20];
	v9 =	vbroadcast v3, $0x0  }
0xba: {  	v15 =	vld [tilespmem:s31+$0xFFFFFFC0];
	v10, _, _ =	vpop (xrf0);
	v7 =	vadd.s32 v8, v7  }
0xbb: {  	v8 =	vperm.xlane v10, v2;
	vm1 =	vge.s32 v7, v9;
	v7 =	vld [tilespmem:s31+$0x30]  }
0xbc: {  	v4 =	vshll.u32 v4, $0x5;
	v11 =	vadd.s32 $0xD0FC0F01, v11  }
0xbd: {  	v24 =	vadd.s32 $0xD0FC0F01, v12;
	vm0 =	vge.s32 v8, v9;
	v8 =	vmpcnt.ones.xlane vm1  }
0xbe: {  	v18 =	vshrl.u32 v11, $0xF;
	v25 =	vshrl.u32 v24, $0xF;
	v9 =	vld [tilespmem:s31+$0xFFFFFFD0];
	v10 =	vmpcnt.ones.xlane vm0  }
0xbf: {  	v26 =	vadd.s32 $0xD0FC0F01, v13;
	v17 =	vadd.s32 $0xD0FC0F01, v15;
	v4 =	vadd.s32 v8, v4;
	v8 =	vld [tilespmem:s31+$0xFFFFFFF0]  }
0xc0: {  	v13 =	vand.u32 $0x1F, v18;
	v4 =	vadd.s32 v10, v4;
	v7 =	vadd.s32 $0xD0FC0F01, v7  }
0xc1: {  	v10 =	vld [tilespmem:s31+$0x0];
	v4 =	vadd.s32 $0xFFFFFFFF, v4;
	v14 =	vshra.s32 v7, $0x14;
	v7 =	vshrl.u32 v7, $0xF  }
0xc2: {  	v20 =	vshra.s32 v17, $0x14;
	vm2 =	veq.s32 v14, v4;
	v7 =	vand.u32 $0x1F, v7  }
0xc3: {  	v15 =	vand.u32 $0x1F, v25;
	v9 =	vadd.s32 $0xD0FC0F01, v9;
	v19 =	vor.u32 $0xE0, v7  }
0xc4: {  	v14 =	vshrl.u32 v9, $0xF;
	v16 =	vadd.s32 $0xD0FC0F01, v8;
	v7 =	vshra.s32 v9, $0x14  }
0xc5: {  	v8 =	vand.u32 $0x1F, v14;
	v9 =	vshrl.u32 v26, $0xF;
	v21 =	vshrl.u32 v16, $0xF  }
0xc6: {  	v22 =	vadd.s32 $0xD0FC0F01, v10;
	v10 =	vshra.s32 v11, $0x14;
	v14 =	vshra.s32 v16, $0x14  }
0xc7: {  	v16 =	vshra.s32 v26, $0x14;
	v23 =	vshrl.u32 v22, $0xF;
	v18 =	vand.u32 $0x1F, v21  }
0xc8: {  	s15 =	simm.s32 $0xC0;
	s14 =	simm.s32 $0x0;
	v11 =	vshra.s32 v22, $0x14;
	v12 =	vand.u32 $0x1F, v23;
	[tilespmem:v19+s10+$0x0] =	vst.idx.add.s32.msk vm2, v1;
	v19 =	vshra.s32 v24, $0x14  }
.LBB2_7:
0xc9: {  	v21 =	vld [tilespmem:s15+$0x30];
	s14 =	sadd.s32 $0x8, s14;
	vm4 =	veq.s32 v20, v4;
	v17 =	vshrl.u32 v17, $0xF;
	v9 =	vand.u32 $0x1F, v9  }
0xca: {  	vm8 =	veq.s32 v7, v4;
	v7 =	vor.u32 $0x20, v8;
	vm7 =	veq.s32 v10, v4;
	v20 =	vld [tilespmem:s15+$0xFFFFFFD0];
	p0 =	slt.u32 s14, $0x1F8  }
0xcb: {  	v10 =	vor.u32 $0x40, v13;
	vm6 =	veq.s32 v14, v4;
	v13 =	vor.u32 $0x60, v18;
	v8 =	vld [tilespmem:s15+$0xFFFFFFE0]  }
0xcc: {  	vm5 =	veq.s32 v11, v4;
	v11 =	vor.u32 $0x80, v12;
	vm3 =	veq.s32 v19, v4;
	v14 =	vld [tilespmem:s15+$0xFFFFFFF0]  }
0xcd: {  	v15 =	vor.u32 $0xA0, v15;
	vm2 =	veq.s32 v16, v4;
	v22 =	vor.u32 $0xC0, v9;
	v12 =	vld [tilespmem:s15+$0x0]  }
0xce: {  	v17 =	vand.u32 $0x1F, v17;
	v9 =	vld [tilespmem:s15+$0x10];
	v16 =	vadd.s32 $0xD0FC0F01, v21  }
0xcf: {  	v18 =	vadd.s32 $0xD0FC0F01, v20;
	v19 =	vld [tilespmem:s15+$0x20];
	v20 =	vshra.s32 v16, $0x14;
	v16 =	vshrl.u32 v16, $0xF  }
0xd0: {  	v21 =	vld [tilespmem:s15+$0xFFFFFFC0];
	v23 =	vadd.s32 $0xD0FC0F01, v8;
	vm9 =	veq.s32 v20, v4;
	v8 =	vand.u32 $0x1F, v16  }
0xd1: {  	v16 =	vshrl.u32 v18, $0xF;
	v14 =	vadd.s32 $0xD0FC0F01, v14;
	v24 =	vor.u32 $0xE0, v8;
	[tilespmem:v7+s10+$0x0] =	vst.idx.add.s32.msk vm8, v1  }
0xd2: {  	v25 =	vshrl.u32 v23, $0xF;
	v26 =	vshrl.u32 v14, $0xF;
	v12 =	vadd.s32 $0xD0FC0F01, v12;
	[tilespmem:v10+s10+$0x0] =	vst.idx.add.s32.msk vm7, v1  }
0xd3: {  	v7 =	vshra.s32 v18, $0x14;
	v27 =	vshrl.u32 v12, $0xF;
	v28 =	vadd.s32 $0xD0FC0F01, v9;
	[tilespmem:v17+s10+$0x0] =	vst.idx.add.s32.msk vm4, v1  }
.Ltmp3:
0xd4: {  	v8 =	vand.u32 $0x1F, v16;
	v16 =	vshrl.u32 v28, $0xF;
	v29 =	vadd.s32 $0xD0FC0F01, v19;
	[tilespmem:v13+s10+$0x0] =	vst.idx.add.s32.msk vm6, v1;
	(pc) =	sbr.rel @p0 .LBB2_7-.Ltmp3, $4  }
0xd5: {  	v10 =	vshra.s32 v23, $0x14;
	v17 =	vadd.s32 $0xD0FC0F01, v21;
	v9 =	vshrl.u32 v29, $0xF;
	[tilespmem:v11+s10+$0x0] =	vst.idx.add.s32.msk vm5, v1  }
0xd6: {  	v14 =	vshra.s32 v14, $0x14;
	v13 =	vand.u32 $0x1F, v25;
	v20 =	vshra.s32 v17, $0x14;
	[tilespmem:v24+s10+$0x0] =	vst.idx.add.s32.msk vm9, v1  }
0xd7: {  	v18 =	vand.u32 $0x1F, v26;
	v11 =	vshra.s32 v12, $0x14;
	v12 =	vand.u32 $0x1F, v27;
	[tilespmem:v15+s10+$0x0] =	vst.idx.add.s32.msk vm3, v1  }
0xd8: {  	s15 =	sadd.s32 $0x80, s15;
	v19 =	vshra.s32 v28, $0x14;
	v15 =	vand.u32 $0x1F, v16;
	v16 =	vshra.s32 v29, $0x14;
	[tilespmem:v22+s10+$0x0] =	vst.idx.add.s32.msk vm2, v1  }
0xd9: {  	vm2 =	veq.s32 v7, v4  }
0xda: {  	v7 =	vor.u32 $0x20, v8;
	vm3 =	veq.s32 v10, v4  }
0xdb: {  	vm4 =	veq.s32 v20, v4;
	v8 =	vshrl.u32 v17, $0xF;
	v10 =	vor.u32 $0x40, v13  }
0xdc: {  	vm5 =	veq.s32 v14, v4;
	v8 =	vand.u32 $0x1F, v8  }
0xdd: {  	v13 =	vor.u32 $0x60, v18;
	vm6 =	veq.s32 v11, v4  }
0xde: {  	v11 =	vor.u32 $0x80, v12;
	vm7 =	veq.s32 v19, v4  }
0xdf: {  	v9 =	vand.u32 $0x1F, v9;
	v12 =	vor.u32 $0xA0, v15;
	vm8 =	veq.s32 v16, v4;
	[tilespmem:v7+s10+$0x0] =	vst.idx.add.s32.msk vm2, v1  }
0xe0: {  	v7 =	vor.u32 $0xC0, v9;
	[tilespmem:v10+s10+$0x0] =	vst.idx.add.s32.msk vm3, v1  }
0xe1: {  	[tilespmem:v8+s10+$0x0] =	vst.idx.add.s32.msk vm4, v1  }
0xe2: {  	[tilespmem:v13+s10+$0x0] =	vst.idx.add.s32.msk vm5, v1  }
0xe3: {  	[tilespmem:v11+s10+$0x0] =	vst.idx.add.s32.msk vm6, v1  }
0xe4: {  	[tilespmem:v12+s10+$0x0] =	vst.idx.add.s32.msk vm7, v1  }
0xe5: {  	[tilespmem:v7+s10+$0x0] =	vst.idx.add.s32.msk vm8, v1  }
0xe6: {  	v7 =	vld [tilespmem:$0x2000]  }
0xe7: {  	v8 =	vld [tilespmem:$0x2010]  }
0xe8: {  	v6 =	vsel vm1, $0x0, v6;
	v9 =	vld [tilespmem:$0x2020]  }
0xe9: {  	v5 =	vsel vm0, $0x0, v5;
	(xrf0) =	vadd.scan.msk.s32 $0xffff, v6;
	v6 =	vld [tilespmem:$0x2030]  }
0xea: {  	(xrf0) =	vadd.scan.msk.s32 $0xffff, v5;
	v5 =	vld [tilespmem:$0x2040]  }
0xeb: {  	v10 =	vld [tilespmem:$0x2050]  }
0xec: {  	v11 =	vld [tilespmem:$0x2060]  }
0xed: {  	v12 =	vld [tilespmem:$0x2070]  }
0xee: {  	v13 =	vld [tilespmem:$0x2080]  }
0xef: {  	v14, _, _ =	vpop (xrf0);
	v15 =	vld [tilespmem:$0x2090]  }
0xf0: {  	(v2sf) =	vpush v14, $0xF;
	v14, _, _ =	vpop (xrf0);
	v16 =	vld [tilespmem:$0x20A0]  }
0xf1: {  	(v2sf) =	vpush v14, $0xF;
	v14 =	vld [tilespmem:$0x20B0]  }
0xf2: {  	v17 =	vld [tilespmem:$0x20C0];
	[tilespmem:$0x2000] =	vst v0  }
0xf3: {  	[tilespmem:$0x2010] =	vst v0;
	v7 =	vadd.s32 v7, v9;
	v9 =	vld [tilespmem:$0x20D0]  }
0xf4: {  	[tilespmem:$0x2020] =	vst v0;
	v6 =	vadd.s32 v8, v6;
	v5 =	vadd.s32 v5, v7;
	v7 =	vld [tilespmem:$0x20E0]  }
0xf5: {  	[tilespmem:$0x2030] =	vst v0;
	v8 =	vld [tilespmem:$0x20F0];
	v6 =	vadd.s32 v10, v6;
	v5 =	vadd.s32 v11, v5  }
0xf6: {  	[tilespmem:$0x2040] =	vst v0;
	v6 =	vadd.s32 v12, v6;
	v5 =	vadd.s32 v13, v5  }
0xf7: {  	[tilespmem:$0x2050] =	vst v0;
	v6 =	vadd.s32 v15, v6;
	v5 =	vadd.s32 v16, v5  }
0xf8: {  	[tilespmem:$0x2060] =	vst v0;
	v6 =	vadd.s32 v14, v6;
	v5 =	vadd.s32 v17, v5  }
0xf9: {  	[tilespmem:$0x2070] =	vst v0;
	v9 =	vadd.s32 v9, v6;
	v6 =	vadd.s32 v7, v5  }
0xfa: {  	[tilespmem:$0x2080] =	vst v0;
	v5 =	vadd.s32 v8, v9;
	v7 =	vperm.xlane v6, v2  }
0xfb: {  	[tilespmem:$0x2090] =	vst v0;
	(xrf0) =	vadd.scan.msk.s32 $0xffff, v5  }
0xfc: {  	[tilespmem:$0x20A0] =	vst v0;
	(xrf0) =	vadd.scan.msk.s32 $0xffff, v7  }
0xfd: {  	[tilespmem:$0x20B0] =	vst v0;
	v7 =	vperm.xlane v5, v2  }
0xfe: {  	[tilespmem:$0x20C0] =	vst v0  }
0xff: {  	[tilespmem:$0x20D0] =	vst v0;
	s14 =	spop (v2sf);
	(xrf0) =	vadd.scan.msk.s32 $0xffff, v7  }
0x100: {  	[tilespmem:$0x20F0] =	vst v0;
	s15 =	spop (v2sf)  }
0x101: {  	s31 =	simm.s32 $0x40;
	[tilespmem:$0x20E0] =	vst v0;
	s14 =	sadd.s32 s15, s14;
	v7, _, _ =	vpop (xrf0)  }
0x102: {  	v11 =	vld [tilespmem:s31+$0xFFFFFFE0];
	v9 =	vmov s14;
	v8, _, _ =	vpop (xrf0)  }
0x103: {  	v12 =	vld [tilespmem:s31+$0x10];
	v3 =	vsub.s32 v3, v9;
	v7 =	vbroadcast v7, $0xF;
	v8 =	vperm.xlane v8, v2  }
0x104: {  	v13 =	vld [tilespmem:s31+$0x20];
	v9 =	vbroadcast v3, $0x0  }
0x105: {  	v15 =	vld [tilespmem:s31+$0xFFFFFFC0];
	v10, _, _ =	vpop (xrf0);
	v7 =	vadd.s32 v8, v7  }
0x106: {  	v8 =	vperm.xlane v10, v2;
	vm1 =	vge.s32 v7, v9;
	v7 =	vld [tilespmem:s31+$0x30]  }
0x107: {  	v4 =	vshll.u32 v4, $0x5;
	v11 =	vadd.s32 $0xD0FC0F01, v11  }
0x108: {  	v24 =	vadd.s32 $0xD0FC0F01, v12;
	vm0 =	vge.s32 v8, v9;
	v8 =	vmpcnt.ones.xlane vm1  }
0x109: {  	v18 =	vshrl.u32 v11, $0xA;
	v25 =	vshrl.u32 v24, $0xA;
	v9 =	vld [tilespmem:s31+$0xFFFFFFD0];
	v10 =	vmpcnt.ones.xlane vm0  }
0x10a: {  	v26 =	vadd.s32 $0xD0FC0F01, v13;
	v17 =	vadd.s32 $0xD0FC0F01, v15;
	v4 =	vadd.s32 v8, v4;
	v8 =	vld [tilespmem:s31+$0xFFFFFFF0]  }
0x10b: {  	v20 =	vshra.s32 v17, $0xF;
	v4 =	vadd.s32 v10, v4;
	v7 =	vadd.s32 $0xD0FC0F01, v7  }
0x10c: {  	v10 =	vld [tilespmem:s31+$0x0];
	v4 =	vadd.s32 $0xFFFFFFFF, v4;
	v14 =	vshra.s32 v7, $0xF;
	v7 =	vshrl.u32 v7, $0xA  }
0x10d: {  	v13 =	vand.u32 $0x1F, v18;
	vm2 =	veq.s32 v14, v4;
	v7 =	vand.u32 $0x1F, v7  }
0x10e: {  	v15 =	vand.u32 $0x1F, v25;
	v9 =	vadd.s32 $0xD0FC0F01, v9;
	v19 =	vor.u32 $0xE0, v7  }
0x10f: {  	v14 =	vshrl.u32 v9, $0xA;
	v16 =	vadd.s32 $0xD0FC0F01, v8;
	v7 =	vshra.s32 v9, $0xF  }
0x110: {  	v8 =	vand.u32 $0x1F, v14;
	v9 =	vshrl.u32 v26, $0xA;
	v21 =	vshrl.u32 v16, $0xA  }
0x111: {  	v22 =	vadd.s32 $0xD0FC0F01, v10;
	v10 =	vshra.s32 v11, $0xF;
	v14 =	vshra.s32 v16, $0xF  }
0x112: {  	v16 =	vshra.s32 v26, $0xF;
	v23 =	vshrl.u32 v22, $0xA;
	v18 =	vand.u32 $0x1F, v21  }
0x113: {  	s15 =	simm.s32 $0xC0;
	s14 =	simm.s32 $0x0;
	v11 =	vshra.s32 v22, $0xF;
	v12 =	vand.u32 $0x1F, v23;
	[tilespmem:v19+s10+$0x0] =	vst.idx.add.s32.msk vm2, v1;
	v19 =	vshra.s32 v24, $0xF  }
.LBB2_9:
0x114: {  	v21 =	vld [tilespmem:s15+$0x30];
	s14 =	sadd.s32 $0x8, s14;
	vm4 =	veq.s32 v20, v4;
	v17 =	vshrl.u32 v17, $0xA;
	v9 =	vand.u32 $0x1F, v9  }
0x115: {  	vm8 =	veq.s32 v7, v4;
	v7 =	vor.u32 $0x20, v8;
	vm7 =	veq.s32 v10, v4;
	v20 =	vld [tilespmem:s15+$0xFFFFFFD0];
	p0 =	slt.u32 s14, $0x1F8  }
0x116: {  	v10 =	vor.u32 $0x40, v13;
	vm6 =	veq.s32 v14, v4;
	v13 =	vor.u32 $0x60, v18;
	v8 =	vld [tilespmem:s15+$0xFFFFFFE0]  }
0x117: {  	vm5 =	veq.s32 v11, v4;
	v11 =	vor.u32 $0x80, v12;
	vm3 =	veq.s32 v19, v4;
	v14 =	vld [tilespmem:s15+$0xFFFFFFF0]  }
0x118: {  	v15 =	vor.u32 $0xA0, v15;
	vm2 =	veq.s32 v16, v4;
	v22 =	vor.u32 $0xC0, v9;
	v12 =	vld [tilespmem:s15+$0x0]  }
0x119: {  	v17 =	vand.u32 $0x1F, v17;
	v9 =	vld [tilespmem:s15+$0x10];
	v16 =	vadd.s32 $0xD0FC0F01, v21  }
0x11a: {  	v18 =	vadd.s32 $0xD0FC0F01, v20;
	v19 =	vld [tilespmem:s15+$0x20];
	v20 =	vshra.s32 v16, $0xF;
	v16 =	vshrl.u32 v16, $0xA  }
0x11b: {  	v21 =	vld [tilespmem:s15+$0xFFFFFFC0];
	v23 =	vadd.s32 $0xD0FC0F01, v8;
	vm9 =	veq.s32 v20, v4;
	v8 =	vand.u32 $0x1F, v16  }
0x11c: {  	v16 =	vshrl.u32 v18, $0xA;
	v14 =	vadd.s32 $0xD0FC0F01, v14;
	v24 =	vor.u32 $0xE0, v8;
	[tilespmem:v7+s10+$0x0] =	vst.idx.add.s32.msk vm8, v1  }
0x11d: {  	v25 =	vshrl.u32 v23, $0xA;
	v26 =	vshrl.u32 v14, $0xA;
	v12 =	vadd.s32 $0xD0FC0F01, v12;
	[tilespmem:v10+s10+$0x0] =	vst.idx.add.s32.msk vm7, v1  }
0x11e: {  	v7 =	vshra.s32 v18, $0xF;
	v27 =	vshrl.u32 v12, $0xA;
	v28 =	vadd.s32 $0xD0FC0F01, v9;
	[tilespmem:v17+s10+$0x0] =	vst.idx.add.s32.msk vm4, v1  }
.Ltmp4:
0x11f: {  	v8 =	vand.u32 $0x1F, v16;
	v16 =	vshrl.u32 v28, $0xA;
	v29 =	vadd.s32 $0xD0FC0F01, v19;
	[tilespmem:v13+s10+$0x0] =	vst.idx.add.s32.msk vm6, v1;
	(pc) =	sbr.rel @p0 .LBB2_9-.Ltmp4, $4  }
0x120: {  	v10 =	vshra.s32 v23, $0xF;
	v17 =	vadd.s32 $0xD0FC0F01, v21;
	v9 =	vshrl.u32 v29, $0xA;
	[tilespmem:v11+s10+$0x0] =	vst.idx.add.s32.msk vm5, v1  }
0x121: {  	v14 =	vshra.s32 v14, $0xF;
	v13 =	vand.u32 $0x1F, v25;
	v20 =	vshra.s32 v17, $0xF;
	[tilespmem:v24+s10+$0x0] =	vst.idx.add.s32.msk vm9, v1  }
0x122: {  	v18 =	vand.u32 $0x1F, v26;
	v11 =	vshra.s32 v12, $0xF;
	v12 =	vand.u32 $0x1F, v27;
	[tilespmem:v15+s10+$0x0] =	vst.idx.add.s32.msk vm3, v1  }
0x123: {  	s15 =	sadd.s32 $0x80, s15;
	v19 =	vshra.s32 v28, $0xF;
	v15 =	vand.u32 $0x1F, v16;
	v16 =	vshra.s32 v29, $0xF;
	[tilespmem:v22+s10+$0x0] =	vst.idx.add.s32.msk vm2, v1  }
0x124: {  	vm2 =	veq.s32 v7, v4  }
0x125: {  	v7 =	vor.u32 $0x20, v8;
	vm3 =	veq.s32 v10, v4  }
0x126: {  	vm4 =	veq.s32 v20, v4;
	v8 =	vshrl.u32 v17, $0xA;
	v10 =	vor.u32 $0x40, v13  }
0x127: {  	vm5 =	veq.s32 v14, v4;
	v8 =	vand.u32 $0x1F, v8  }
0x128: {  	v13 =	vor.u32 $0x60, v18;
	vm6 =	veq.s32 v11, v4  }
0x129: {  	v11 =	vor.u32 $0x80, v12;
	vm7 =	veq.s32 v19, v4  }
0x12a: {  	v9 =	vand.u32 $0x1F, v9;
	v12 =	vor.u32 $0xA0, v15;
	vm8 =	veq.s32 v16, v4;
	[tilespmem:v7+s10+$0x0] =	vst.idx.add.s32.msk vm2, v1  }
0x12b: {  	v7 =	vor.u32 $0xC0, v9;
	[tilespmem:v10+s10+$0x0] =	vst.idx.add.s32.msk vm3, v1  }
0x12c: {  	[tilespmem:v8+s10+$0x0] =	vst.idx.add.s32.msk vm4, v1  }
0x12d: {  	[tilespmem:v13+s10+$0x0] =	vst.idx.add.s32.msk vm5, v1  }
0x12e: {  	[tilespmem:v11+s10+$0x0] =	vst.idx.add.s32.msk vm6, v1  }
0x12f: {  	[tilespmem:v12+s10+$0x0] =	vst.idx.add.s32.msk vm7, v1  }
0x130: {  	[tilespmem:v7+s10+$0x0] =	vst.idx.add.s32.msk vm8, v1  }
0x131: {  	v7 =	vld [tilespmem:$0x2000]  }
0x132: {  	v8 =	vld [tilespmem:$0x2010]  }
0x133: {  	v6 =	vsel vm1, $0x0, v6;
	v9 =	vld [tilespmem:$0x2020]  }
0x134: {  	v5 =	vsel vm0, $0x0, v5;
	(xrf0) =	vadd.scan.msk.s32 $0xffff, v6;
	v6 =	vld [tilespmem:$0x2030]  }
0x135: {  	(xrf0) =	vadd.scan.msk.s32 $0xffff, v5;
	v5 =	vld [tilespmem:$0x2040]  }
0x136: {  	v10 =	vld [tilespmem:$0x2050]  }
0x137: {  	v11 =	vld [tilespmem:$0x2060]  }
0x138: {  	v12 =	vld [tilespmem:$0x2070]  }
0x139: {  	v13 =	vld [tilespmem:$0x2080]  }
0x13a: {  	v14, _, _ =	vpop (xrf0);
	v15 =	vld [tilespmem:$0x2090]  }
0x13b: {  	(v2sf) =	vpush v14, $0xF;
	v14, _, _ =	vpop (xrf0);
	v16 =	vld [tilespmem:$0x20A0]  }
0x13c: {  	(v2sf) =	vpush v14, $0xF;
	v14 =	vld [tilespmem:$0x20B0]  }
0x13d: {  	v17 =	vld [tilespmem:$0x20C0];
	[tilespmem:$0x2000] =	vst v0  }
0x13e: {  	[tilespmem:$0x2010] =	vst v0;
	v7 =	vadd.s32 v7, v9;
	v9 =	vld [tilespmem:$0x20D0]  }
0x13f: {  	[tilespmem:$0x2020] =	vst v0;
	v6 =	vadd.s32 v8, v6;
	v5 =	vadd.s32 v5, v7;
	v7 =	vld [tilespmem:$0x20E0]  }
0x140: {  	[tilespmem:$0x2030] =	vst v0;
	v8 =	vld [tilespmem:$0x20F0];
	v6 =	vadd.s32 v10, v6;
	v5 =	vadd.s32 v11, v5  }
0x141: {  	[tilespmem:$0x2040] =	vst v0;
	v6 =	vadd.s32 v12, v6;
	v5 =	vadd.s32 v13, v5  }
0x142: {  	[tilespmem:$0x2050] =	vst v0;
	v6 =	vadd.s32 v15, v6;
	v5 =	vadd.s32 v16, v5  }
0x143: {  	[tilespmem:$0x2060] =	vst v0;
	v6 =	vadd.s32 v14, v6;
	v5 =	vadd.s32 v17, v5  }
0x144: {  	[tilespmem:$0x2070] =	vst v0;
	v9 =	vadd.s32 v9, v6;
	v6 =	vadd.s32 v7, v5  }
0x145: {  	[tilespmem:$0x2080] =	vst v0;
	v5 =	vadd.s32 v8, v9;
	v7 =	vperm.xlane v6, v2  }
0x146: {  	[tilespmem:$0x2090] =	vst v0;
	(xrf0) =	vadd.scan.msk.s32 $0xffff, v5  }
0x147: {  	[tilespmem:$0x20A0] =	vst v0;
	(xrf0) =	vadd.scan.msk.s32 $0xffff, v7  }
0x148: {  	[tilespmem:$0x20B0] =	vst v0;
	v7 =	vperm.xlane v5, v2  }
0x149: {  	[tilespmem:$0x20C0] =	vst v0  }
0x14a: {  	[tilespmem:$0x20D0] =	vst v0;
	s14 =	spop (v2sf);
	(xrf0) =	vadd.scan.msk.s32 $0xffff, v7  }
0x14b: {  	[tilespmem:$0x20F0] =	vst v0;
	s15 =	spop (v2sf)  }
0x14c: {  	s31 =	simm.s32 $0x40;
	[tilespmem:$0x20E0] =	vst v0;
	s14 =	sadd.s32 s15, s14;
	v7, _, _ =	vpop (xrf0)  }
0x14d: {  	v11 =	vld [tilespmem:s31+$0xFFFFFFE0];
	v9 =	vmov s14;
	v8, _, _ =	vpop (xrf0)  }
0x14e: {  	v12 =	vld [tilespmem:s31+$0x10];
	v3 =	vsub.s32 v3, v9;
	v7 =	vbroadcast v7, $0xF;
	v8 =	vperm.xlane v8, v2  }
0x14f: {  	v13 =	vld [tilespmem:s31+$0x20];
	v9 =	vbroadcast v3, $0x0  }
0x150: {  	v15 =	vld [tilespmem:s31+$0xFFFFFFC0];
	v10, _, _ =	vpop (xrf0);
	v7 =	vadd.s32 v8, v7  }
0x151: {  	v8 =	vperm.xlane v10, v2;
	vm1 =	vge.s32 v7, v9;
	v7 =	vld [tilespmem:s31+$0x30]  }
0x152: {  	v4 =	vshll.u32 v4, $0x5;
	v11 =	vadd.s32 $0xD0FC0F01, v11  }
0x153: {  	v24 =	vadd.s32 $0xD0FC0F01, v12;
	vm0 =	vge.s32 v8, v9;
	v8 =	vmpcnt.ones.xlane vm1  }
0x154: {  	v18 =	vshrl.u32 v11, $0x5;
	v25 =	vshrl.u32 v24, $0x5;
	v9 =	vld [tilespmem:s31+$0xFFFFFFD0];
	v10 =	vmpcnt.ones.xlane vm0  }
0x155: {  	v26 =	vadd.s32 $0xD0FC0F01, v13;
	v17 =	vadd.s32 $0xD0FC0F01, v15;
	v4 =	vadd.s32 v8, v4;
	v8 =	vld [tilespmem:s31+$0xFFFFFFF0]  }
0x156: {  	v20 =	vshra.s32 v17, $0xA;
	v4 =	vadd.s32 v10, v4;
	v7 =	vadd.s32 $0xD0FC0F01, v7  }
0x157: {  	v10 =	vld [tilespmem:s31+$0x0];
	v4 =	vadd.s32 $0xFFFFFFFF, v4;
	v14 =	vshra.s32 v7, $0xA;
	v7 =	vshrl.u32 v7, $0x5  }
0x158: {  	v13 =	vand.u32 $0x1F, v18;
	vm2 =	veq.s32 v14, v4;
	v7 =	vand.u32 $0x1F, v7  }
0x159: {  	v15 =	vand.u32 $0x1F, v25;
	v9 =	vadd.s32 $0xD0FC0F01, v9;
	v19 =	vor.u32 $0xE0, v7  }
0x15a: {  	v14 =	vshrl.u32 v9, $0x5;
	v16 =	vadd.s32 $0xD0FC0F01, v8;
	v7 =	vshra.s32 v9, $0xA  }
0x15b: {  	v8 =	vand.u32 $0x1F, v14;
	v9 =	vshrl.u32 v26, $0x5;
	v21 =	vshrl.u32 v16, $0x5  }
0x15c: {  	v22 =	vadd.s32 $0xD0FC0F01, v10;
	v10 =	vshra.s32 v11, $0xA;
	v14 =	vshra.s32 v16, $0xA  }
0x15d: {  	v16 =	vshra.s32 v26, $0xA;
	v23 =	vshrl.u32 v22, $0x5;
	v18 =	vand.u32 $0x1F, v21  }
0x15e: {  	s15 =	simm.s32 $0xC0;
	s14 =	simm.s32 $0x0;
	v11 =	vshra.s32 v22, $0xA;
	v12 =	vand.u32 $0x1F, v23;
	[tilespmem:v19+s10+$0x0] =	vst.idx.add.s32.msk vm2, v1;
	v19 =	vshra.s32 v24, $0xA  }
.LBB2_11:
0x15f: {  	v21 =	vld [tilespmem:s15+$0x30];
	s14 =	sadd.s32 $0x8, s14;
	vm4 =	veq.s32 v20, v4;
	v17 =	vshrl.u32 v17, $0x5;
	v9 =	vand.u32 $0x1F, v9  }
0x160: {  	vm8 =	veq.s32 v7, v4;
	v7 =	vor.u32 $0x20, v8;
	vm7 =	veq.s32 v10, v4;
	v20 =	vld [tilespmem:s15+$0xFFFFFFD0];
	p0 =	slt.u32 s14, $0x1F8  }
0x161: {  	v10 =	vor.u32 $0x40, v13;
	vm6 =	veq.s32 v14, v4;
	v13 =	vor.u32 $0x60, v18;
	v8 =	vld [tilespmem:s15+$0xFFFFFFE0]  }
0x162: {  	vm5 =	veq.s32 v11, v4;
	v11 =	vor.u32 $0x80, v12;
	vm3 =	veq.s32 v19, v4;
	v14 =	vld [tilespmem:s15+$0xFFFFFFF0]  }
0x163: {  	v15 =	vor.u32 $0xA0, v15;
	vm2 =	veq.s32 v16, v4;
	v22 =	vor.u32 $0xC0, v9;
	v12 =	vld [tilespmem:s15+$0x0]  }
0x164: {  	v17 =	vand.u32 $0x1F, v17;
	v9 =	vld [tilespmem:s15+$0x10];
	v16 =	vadd.s32 $0xD0FC0F01, v21  }
0x165: {  	v18 =	vadd.s32 $0xD0FC0F01, v20;
	v19 =	vld [tilespmem:s15+$0x20];
	v20 =	vshra.s32 v16, $0xA;
	v16 =	vshrl.u32 v16, $0x5  }
0x166: {  	v21 =	vld [tilespmem:s15+$0xFFFFFFC0];
	v23 =	vadd.s32 $0xD0FC0F01, v8;
	vm9 =	veq.s32 v20, v4;
	v8 =	vand.u32 $0x1F, v16  }
0x167: {  	v16 =	vshrl.u32 v18, $0x5;
	v14 =	vadd.s32 $0xD0FC0F01, v14;
	v24 =	vor.u32 $0xE0, v8;
	[tilespmem:v7+s10+$0x0] =	vst.idx.add.s32.msk vm8, v1  }
0x168: {  	v25 =	vshrl.u32 v23, $0x5;
	v26 =	vshrl.u32 v14, $0x5;
	v12 =	vadd.s32 $0xD0FC0F01, v12;
	[tilespmem:v10+s10+$0x0] =	vst.idx.add.s32.msk vm7, v1  }
0x169: {  	v7 =	vshra.s32 v18, $0xA;
	v27 =	vshrl.u32 v12, $0x5;
	v28 =	vadd.s32 $0xD0FC0F01, v9;
	[tilespmem:v17+s10+$0x0] =	vst.idx.add.s32.msk vm4, v1  }
.Ltmp5:
0x16a: {  	v8 =	vand.u32 $0x1F, v16;
	v16 =	vshrl.u32 v28, $0x5;
	v29 =	vadd.s32 $0xD0FC0F01, v19;
	[tilespmem:v13+s10+$0x0] =	vst.idx.add.s32.msk vm6, v1;
	(pc) =	sbr.rel @p0 .LBB2_11-.Ltmp5, $4  }
0x16b: {  	v10 =	vshra.s32 v23, $0xA;
	v17 =	vadd.s32 $0xD0FC0F01, v21;
	v9 =	vshrl.u32 v29, $0x5;
	[tilespmem:v11+s10+$0x0] =	vst.idx.add.s32.msk vm5, v1  }
0x16c: {  	v14 =	vshra.s32 v14, $0xA;
	v13 =	vand.u32 $0x1F, v25;
	v20 =	vshra.s32 v17, $0xA;
	[tilespmem:v24+s10+$0x0] =	vst.idx.add.s32.msk vm9, v1  }
0x16d: {  	v18 =	vand.u32 $0x1F, v26;
	v11 =	vshra.s32 v12, $0xA;
	v12 =	vand.u32 $0x1F, v27;
	[tilespmem:v15+s10+$0x0] =	vst.idx.add.s32.msk vm3, v1  }
0x16e: {  	s15 =	sadd.s32 $0x80, s15;
	v19 =	vshra.s32 v28, $0xA;
	v15 =	vand.u32 $0x1F, v16;
	v16 =	vshra.s32 v29, $0xA;
	[tilespmem:v22+s10+$0x0] =	vst.idx.add.s32.msk vm2, v1  }
0x16f: {  	vm2 =	veq.s32 v7, v4  }
0x170: {  	v7 =	vor.u32 $0x20, v8;
	vm3 =	veq.s32 v10, v4  }
0x171: {  	vm4 =	veq.s32 v20, v4;
	v8 =	vshrl.u32 v17, $0x5;
	v10 =	vor.u32 $0x40, v13  }
0x172: {  	vm5 =	veq.s32 v14, v4;
	v8 =	vand.u32 $0x1F, v8  }
0x173: {  	v13 =	vor.u32 $0x60, v18;
	vm6 =	veq.s32 v11, v4  }
0x174: {  	v11 =	vor.u32 $0x80, v12;
	vm7 =	veq.s32 v19, v4  }
0x175: {  	v9 =	vand.u32 $0x1F, v9;
	v12 =	vor.u32 $0xA0, v15;
	vm8 =	veq.s32 v16, v4;
	[tilespmem:v7+s10+$0x0] =	vst.idx.add.s32.msk vm2, v1  }
0x176: {  	v7 =	vor.u32 $0xC0, v9;
	[tilespmem:v10+s10+$0x0] =	vst.idx.add.s32.msk vm3, v1  }
0x177: {  	[tilespmem:v8+s10+$0x0] =	vst.idx.add.s32.msk vm4, v1  }
0x178: {  	[tilespmem:v13+s10+$0x0] =	vst.idx.add.s32.msk vm5, v1  }
0x179: {  	[tilespmem:v11+s10+$0x0] =	vst.idx.add.s32.msk vm6, v1  }
0x17a: {  	[tilespmem:v12+s10+$0x0] =	vst.idx.add.s32.msk vm7, v1  }
0x17b: {  	[tilespmem:v7+s10+$0x0] =	vst.idx.add.s32.msk vm8, v1  }
0x17c: {  	v7 =	vld [tilespmem:$0x2000]  }
0x17d: {  	v8 =	vld [tilespmem:$0x2010]  }
0x17e: {  	v6 =	vsel vm1, $0x0, v6;
	v9 =	vld [tilespmem:$0x2020]  }
0x17f: {  	v5 =	vsel vm0, $0x0, v5;
	(xrf0) =	vadd.scan.msk.s32 $0xffff, v6;
	v6 =	vld [tilespmem:$0x2030]  }
0x180: {  	(xrf0) =	vadd.scan.msk.s32 $0xffff, v5;
	v5 =	vld [tilespmem:$0x2040]  }
0x181: {  	v10 =	vld [tilespmem:$0x2050]  }
0x182: {  	v11 =	vld [tilespmem:$0x2060]  }
0x183: {  	v12 =	vld [tilespmem:$0x2070]  }
0x184: {  	v13 =	vld [tilespmem:$0x2080]  }
0x185: {  	v14, _, _ =	vpop (xrf0);
	v15 =	vld [tilespmem:$0x2090]  }
0x186: {  	(v2sf) =	vpush v14, $0xF;
	v14, _, _ =	vpop (xrf0);
	v16 =	vld [tilespmem:$0x20A0]  }
0x187: {  	(v2sf) =	vpush v14, $0xF;
	v14 =	vld [tilespmem:$0x20B0]  }
0x188: {  	v17 =	vld [tilespmem:$0x20C0]  }
0x189: {  	v7 =	vadd.s32 v7, v9;
	v9 =	vld [tilespmem:$0x20D0]  }
0x18a: {  	v6 =	vadd.s32 v8, v6;
	v5 =	vadd.s32 v5, v7;
	v7 =	vld [tilespmem:$0x20E0]  }
0x18b: {  	[tilespmem:$0x2000] =	vst v0;
	v8 =	vld [tilespmem:$0x20F0];
	v6 =	vadd.s32 v10, v6;
	v5 =	vadd.s32 v11, v5  }
0x18c: {  	[tilespmem:$0x2010] =	vst v0;
	v6 =	vadd.s32 v12, v6;
	v5 =	vadd.s32 v13, v5  }
0x18d: {  	[tilespmem:$0x2020] =	vst v0;
	v6 =	vadd.s32 v15, v6;
	v5 =	vadd.s32 v16, v5  }
0x18e: {  	[tilespmem:$0x2030] =	vst v0;
	v6 =	vadd.s32 v14, v6;
	v5 =	vadd.s32 v17, v5  }
0x18f: {  	[tilespmem:$0x2040] =	vst v0;
	v9 =	vadd.s32 v9, v6;
	v6 =	vadd.s32 v7, v5  }
0x190: {  	[tilespmem:$0x2050] =	vst v0;
	v5 =	vadd.s32 v8, v9;
	v7 =	vperm.xlane v6, v2  }
0x191: {  	[tilespmem:$0x2060] =	vst v0;
	(xrf0) =	vadd.scan.msk.s32 $0xffff, v5  }
0x192: {  	[tilespmem:$0x2070] =	vst v0;
	(xrf0) =	vadd.scan.msk.s32 $0xffff, v7;
	v7 =	vperm.xlane v5, v2  }
0x193: {  	[tilespmem:$0x2080] =	vst v0  }
0x194: {  	[tilespmem:$0x2090] =	vst v0;
	(xrf0) =	vadd.scan.msk.s32 $0xffff, v7  }
0x195: {  	[tilespmem:$0x20A0] =	vst v0;
	s14 =	spop (v2sf)  }
0x196: {  	[tilespmem:$0x20B0] =	vst v0;
	s15 =	spop (v2sf)  }
0x197: {  	[tilespmem:$0x20C0] =	vst v0;
	s14 =	sadd.s32 s15, s14;
	v7, _, _ =	vpop (xrf0)  }
0x198: {  	[tilespmem:$0x20D0] =	vst v0;
	v9 =	vmov s14;
	v8, _, _ =	vpop (xrf0)  }
0x199: {  	[tilespmem:$0x20F0] =	vst v0;
	v3 =	vsub.s32 v3, v9;
	v7 =	vbroadcast v7, $0xF;
	v8 =	vperm.xlane v8, v2  }
0x19a: {  	s31 =	simm.s32 $0x40;
	[tilespmem:$0x20E0] =	vst v0;
	v9 =	vbroadcast v3, $0x0;
	v10, _, _ =	vpop (xrf0)  }
0x19b: {  	v7 =	vadd.s32 v8, v7;
	v8 =	vperm.xlane v10, v2;
	v10 =	vld [tilespmem:s31+$0x10]  }
0x19c: {  	vm1 =	vge.s32 v7, v9;
	v7 =	vld [tilespmem:s31+$0xFFFFFFC0];
	_ =	sdelay $0x1  }
0x19d: {  	v12 =	vld [tilespmem:s31+$0x0];
	vm0 =	vge.s32 v8, v9;
	v8 =	vmpcnt.ones.xlane vm1  }
0x19e: {  	v4 =	vshll.u32 v4, $0x5;
	v14 =	vld [tilespmem:s31+$0x20];
	v11 =	vmpcnt.ones.xlane vm0  }
0x19f: {  	v4 =	vadd.s32 v8, v4  }
0x1a0: {  	v9 =	vld [tilespmem:s31+$0x30];
	v4 =	vadd.s32 v11, v4;
	v15 =	vadd.s32 $0xD0FC0F01, v7;
	v7 =	vadd.s32 $0xD0FC0F01, v10  }
0x1a1: {  	v4 =	vadd.s32 $0xFFFFFFFF, v4;
	v8 =	vshra.s32 v7, $0x5  }
0x1a2: {  	v17 =	vadd.s32 $0xD0FC0F01, v12;
	vm3 =	veq.s32 v8, v4;
	v8 =	vld [tilespmem:s31+$0xFFFFFFE0]  }
0x1a3: {  	v16 =	vadd.s32 $0xD0FC0F01, v14;
	v11 =	vshra.s32 v15, $0x5;
	v7 =	vand.u32 $0x1F, v7  }
0x1a4: {  	v12 =	vld [tilespmem:s31+$0xFFFFFFF0];
	v14 =	vand.u32 $0x1F, v17;
	vm4 =	veq.s32 v11, v4;
	v11 =	vor.u32 $0xA0, v7  }
0x1a5: {  	v10 =	vadd.s32 $0xD0FC0F01, v9;
	v9 =	vand.u32 $0x1F, v15;
	v15 =	vshra.s32 v17, $0x5;
	v7 =	vld [tilespmem:s31+$0xFFFFFFD0]  }
0x1a6: {  	s15 =	simm.s32 $0xC0;
	s14 =	simm.s32 $0x0;
	v13 =	vshra.s32 v10, $0x5;
	vm2 =	veq.s32 v15, v4;
	v15 =	vand.u32 $0x1F, v16  }
.LBB2_13:
0x1a7: {  	v17 =	vld [tilespmem:s15+$0x10];
	s14 =	sadd.s32 $0x8, s14;
	v18 =	vadd.s32 $0xD0FC0F01, v8;
	v8 =	vshra.s32 v16, $0x5;
	vm6 =	veq.s32 v13, v4  }
0x1a8: {  	v14 =	vor.u32 $0x80, v14;
	v13 =	vld [tilespmem:s15+$0xFFFFFFC0];
	p0 =	slt.u32 s14, $0x1F8;
	vm7 =	veq.s32 v8, v4;
	v8 =	vand.u32 $0x1F, v10  }
0x1a9: {  	v10 =	vadd.s32 $0xD0FC0F01, v12;
	[tilespmem:v11+s10+$0x0] =	vst.idx.add.s32.msk vm3, v1;
	v11 =	vor.u32 $0xC0, v15;
	v12 =	vor.u32 $0xE0, v8  }
0x1aa: {  	v7 =	vadd.s32 $0xD0FC0F01, v7;
	v8 =	vshra.s32 v18, $0x5;
	[tilespmem:v9+s10+$0x0] =	vst.idx.add.s32.msk vm4, v1;
	v9 =	vshra.s32 v10, $0x5  }
0x1ab: {  	v16 =	vshra.s32 v7, $0x5;
	v7 =	vand.u32 $0x1F, v7;
	v10 =	vand.u32 $0x1F, v10;
	v15 =	vld [tilespmem:s15+$0x30]  }
0x1ac: {  	vm5 =	veq.s32 v16, v4;
	vm4 =	veq.s32 v8, v4;
	vm8 =	veq.s32 v9, v4;
	v19 =	vld [tilespmem:s15+$0x0]  }
0x1ad: {  	v20 =	vor.u32 $0x20, v7;
	v7 =	vand.u32 $0x1F, v18;
	v9 =	vor.u32 $0x60, v10;
	v8 =	vld [tilespmem:s15+$0xFFFFFFE0]  }
0x1ae: {  	v16 =	vor.u32 $0x40, v7;
	[tilespmem:v11+s10+$0x0] =	vst.idx.add.s32.msk vm7, v1  }
0x1af: {  	v7 =	vld [tilespmem:s15+$0xFFFFFFD0]  }
0x1b0: {  	v10 =	vadd.s32 $0xD0FC0F01, v17;
	v18 =	vadd.s32 $0xD0FC0F01, v13;
	v17 =	vld [tilespmem:s15+$0x20]  }
0x1b1: {  	v21 =	vand.u32 $0x1F, v10;
	v11 =	vshra.s32 v18, $0x5;
	[tilespmem:v12+s10+$0x0] =	vst.idx.add.s32.msk vm6, v1  }
.Ltmp6:
0x1b2: {  	v13 =	vshra.s32 v10, $0x5;
	v10 =	vadd.s32 $0xD0FC0F01, v15;
	v12 =	vld [tilespmem:s15+$0xFFFFFFF0];
	(pc) =	sbr.rel @p0 .LBB2_13-.Ltmp6, $4  }
0x1b3: {  	vm3 =	veq.s32 v13, v4;
	v13 =	vshra.s32 v10, $0x5;
	[tilespmem:v16+s10+$0x0] =	vst.idx.add.s32.msk vm4, v1  }
0x1b4: {  	v15 =	vadd.s32 $0xD0FC0F01, v19;
	vm4 =	veq.s32 v11, v4;
	v11 =	vor.u32 $0xA0, v21;
	[tilespmem:v9+s10+$0x0] =	vst.idx.add.s32.msk vm8, v1  }
0x1b5: {  	v9 =	vand.u32 $0x1F, v18;
	v18 =	vshra.s32 v15, $0x5;
	v16 =	vadd.s32 $0xD0FC0F01, v17;
	[tilespmem:v14+s10+$0x0] =	vst.idx.add.s32.msk vm2, v1  }
0x1b6: {  	s15 =	sadd.s32 $0x80, s15;
	vm2 =	veq.s32 v18, v4;
	v14 =	vand.u32 $0x1F, v15;
	v15 =	vand.u32 $0x1F, v16;
	[tilespmem:v20+s10+$0x0] =	vst.idx.add.s32.msk vm5, v1  }
0x1b7: {  	v16 =	vshra.s32 v16, $0x5;
	v8 =	vadd.s32 $0xD0FC0F01, v8;
	vm5 =	veq.s32 v13, v4  }
0x1b8: {  	v10 =	vand.u32 $0x1F, v10;
	v12 =	vadd.s32 $0xD0FC0F01, v12;
	v33 =	vor.u32 $0xC0, v15  }
0x1b9: {  	v7 =	vadd.s32 $0xD0FC0F01, v7;
	v37 =	vor.u32 $0x80, v14;
	vm6 =	veq.s32 v16, v4  }
0x1ba: {  	v10 =	vor.u32 $0xE0, v10;
	v34 =	vshra.s32 v8, $0x5;
	v35 =	vshra.s32 v12, $0x5  }
0x1bb: {  	v8 =	vand.u32 $0x1F, v8;
	v12 =	vand.u32 $0x1F, v12;
	vm7 =	veq.s32 v34, v4  }
0x1bc: {  	[tilespmem:v11+s10+$0x0] =	vst.idx.add.s32.msk vm3, v1;
	v36 =	vshra.s32 v7, $0x5;
	vm8 =	veq.s32 v35, v4;
	v8 =	vor.u32 $0x40, v8  }
0x1bd: {  	[tilespmem:v9+s10+$0x0] =	vst.idx.add.s32.msk vm4, v1;
	v7 =	vand.u32 $0x1F, v7;
	v12 =	vor.u32 $0x60, v12;
	vm13 =	veq.s32 v36, v4  }
0x1be: {  	v7 =	vor.u32 $0x20, v7;
	[tilespmem:v37+s10+$0x0] =	vst.idx.add.s32.msk vm2, v1  }
0x1bf: {  	[tilespmem:v10+s10+$0x0] =	vst.idx.add.s32.msk vm5, v1  }
0x1c0: {  	[tilespmem:v33+s10+$0x0] =	vst.idx.add.s32.msk vm6, v1  }
0x1c1: {  	[tilespmem:v8+s10+$0x0] =	vst.idx.add.s32.msk vm7, v1  }
0x1c2: {  	[tilespmem:v12+s10+$0x0] =	vst.idx.add.s32.msk vm8, v1  }
0x1c3: {  	[tilespmem:v7+s10+$0x0] =	vst.idx.add.s32.msk vm13, v1  }
0x1c4: {  	v7 =	vld [tilespmem:$0x2000]  }
0x1c5: {  	v8 =	vld [tilespmem:$0x2010]  }
0x1c6: {  	v6 =	vsel vm1, $0x0, v6;
	v9 =	vld [tilespmem:$0x2020]  }
0x1c7: {  	v5 =	vsel vm0, $0x0, v5;
	(xrf0) =	vadd.scan.msk.s32 $0xffff, v6;
	v38 =	vld [tilespmem:$0x2030]  }
0x1c8: {  	(xrf0) =	vadd.scan.msk.s32 $0xffff, v5;
	v39 =	vld [tilespmem:$0x2040]  }
0x1c9: {  	v10 =	vld [tilespmem:$0x2050]  }
0x1ca: {  	v40 =	vld [tilespmem:$0x2060]  }
0x1cb: {  	v12 =	vld [tilespmem:$0x2070]  }
0x1cc: {  	v13 =	vld [tilespmem:$0x2080]  }
0x1cd: {  	v41, _, _ =	vpop (xrf0);
	v42 =	vld [tilespmem:$0x2090]  }
0x1ce: {  	(v2sf) =	vpush v41, $0xF;
	v43, _, _ =	vpop (xrf0);
	v44 =	vld [tilespmem:$0x20A0]  }
0x1cf: {  	(v2sf) =	vpush v43, $0xF;
	v45 =	vld [tilespmem:$0x20B0]  }
0x1d0: {  	v17 =	vld [tilespmem:$0x20C0]  }
0x1d1: {  	v46 =	vld [tilespmem:$0x20D0];
	v7 =	vadd.s32 v7, v9  }
0x1d2: {  	v47 =	vld [tilespmem:$0x20E0];
	v6 =	vadd.s32 v8, v38;
	v5 =	vadd.s32 v39, v7  }
0x1d3: {  	v48 =	vld [tilespmem:$0x20F0];
	v6 =	vadd.s32 v10, v6;
	v5 =	vadd.s32 v40, v5  }
0x1d4: {  	v6 =	vadd.s32 v12, v6;
	v5 =	vadd.s32 v13, v5  }
0x1d5: {  	v6 =	vadd.s32 v42, v6;
	v5 =	vadd.s32 v44, v5  }
0x1d6: {  	v6 =	vadd.s32 v45, v6;
	v5 =	vadd.s32 v17, v5  }
0x1d7: {  	v6 =	vadd.s32 v46, v6;
	v5 =	vadd.s32 v47, v5  }
0x1d8: {  	v6 =	vadd.s32 v48, v6;
	v7 =	vperm.xlane v5, v2  }
0x1d9: {  	(xrf0) =	vadd.scan.msk.s32 $0xffff, v6  }
0x1da: {  	v49 =	vperm.xlane v6, v2;
	(xrf0) =	vadd.scan.msk.s32 $0xffff, v7;
	_ =	sdelay $0x1  }
0x1db: {  	(xrf0) =	vadd.scan.msk.s32 $0xffff, v49  }
0x1dc: {  	s14 =	spop (v2sf)  }
0x1dd: {  	s15 =	spop (v2sf)  }
0x1de: {  	s14 =	sadd.s32 s15, s14;
	v50, _, _ =	vpop (xrf0)  }
0x1df: {  	v51 =	vmov s14;
	v52, _, _ =	vpop (xrf0)  }
0x1e0: {  	v3 =	vsub.s32 v3, v51;
	v7 =	vbroadcast v50, $0xF;
	v53 =	vperm.xlane v52, v2  }
0x1e1: {  	v54 =	vbroadcast v3, $0x0;
	v55, _, _ =	vpop (xrf0)  }
0x1e2: {  	v56 =	vperm.xlane v55, v2;
	v7 =	vadd.s32 v53, v7  }
0x1e3: {  	vm14 =	vge.s32 v7, v54  }
0x1e4: {  	vm15 =	vge.s32 v56, v54;
	v5 =	vsel vm14, $0x0, v5  }
0x1e5: {  	v57 =	vsel vm15, $0x0, v6;
	(xrf0) =	vadd.scan.msk.s32 $0xffff, v5  }
0x1e6: {  	(xrf0) =	vadd.scan.msk.s32 $0xffff, v57;
	_ =	sdelay $0x4  }
0x1e7: {  	v58, _, _ =	vpop (xrf0)  }
0x1e8: {  	(v2sf) =	vpush v58, $0xF;
	v59, _, _ =	vpop (xrf0)  }
0x1e9: {  	(v2sf) =	vpush v59, $0xF;
	_ =	sdelay $0xd  }
0x1ea: {  	s30 =	spop (v2sf)  }
0x1eb: {  	v60 =	vmpcnt.ones.xlane vm14;
	s31 =	spop (v2sf)  }
0x1ec: {  	v62 =	vshll.u32 v4, $0x5;
	v61 =	vmpcnt.ones.xlane vm15;
	s14 =	sadd.s32 s31, s30  }
0x1ed: {  	v4 =	vadd.s32 v60, v62;
	v63 =	vmov s14  }
0x1ee: {  	v4 =	vadd.s32 v61, v4;
	v3 =	vsub.s32 v3, v63  }
0x1ef: {  	v4 =	vadd.s32 $0x2F03F0FE, v4;
	v3 =	vbroadcast v3, $0x0  }
0x1f0: {  	[tilespmem:$0x2100] =	vst v4  }
0x1f1: {  	[tilespmem:$0x2110] =	vst v3  }
0x1f2: {  	[hbm4b:s3+s2] =	stream.linear.scatter [tilespmem:s11], [sflag:$0x1], $0x10, $0x38;
	[tilespmem:$0x2180] =	vst v63  }
0x1f3: {  	s13 =	sadd.s32 $0x1, s13;
	_ =	swait.ge [sflag:s9], $0x10  }
0x1f4: {  	p0 =	sne.s32 s13, s6;
	[sflag:s9] =	ssyncset.done $0x0  }
.Ltmp7:
0x1f5: {  	[sflag:s9] =	ssyncadd.s32 $0xFFFFFFF0;
	(pc) =	sbr.rel @p0 .LBB2_2-.Ltmp7, $4  }
0x1f6: {  	[hbm4b:s4+s2] =	stream.linear.scatter [tilespmem:s12], [sflag:$0x1], $0x10, $0x38;
	[tilespmem:$0x2180] =	vst v63  }
0x1f7: {  	_ =	swait.ge [sflag:s9], $0x10  }
0x1f8: {  	[sflag:s9] =	ssyncset.done $0x0  }
0x1f9: {  	[sflag:s9] =	ssyncadd.s32 $0xFFFFFFF0  }
.LBB2_15:
0x1fa: {  	_ =	sfence.sel $0x180000  }
0x1fb: {  	[bflag:$0x0] =	sbarrier.arrive $0xFFFF  }
0x1fc: {  	p0 =	sne.s32 s1, $0x0;
	_ =	strace $0x90000047  }
0x1fd: {  	s0 =	sadd.s32 @!p0 $0x100000, s0;
	[bflag:$0x2] =	sbarrier.arrive $0xFFFF  }
0x1fe: {  	[sflag:s0] =	ssyncadd.tile.s32 @!p0 $0x1;
	_ =	shalt  }
.Lfunc_end2:
_tile_overlayer_lowered:
.L_overlay_start_2:
0x1ff: {  	(tag) =	ssettag $0x2  }
0x200: {  	s0 =	rddreg [dreg:$0x0];
	s2 =	stileid.u32  }
0x201: {  	s1 =	rddreg [dreg:$0x1];
	p0 =	sne.s32 s2, $0x0  }
0x202: {  	s3 =	rddreg [dreg:$0x2];
	[bflag:$0x3] =	sbarrier.arrive $0xFFFF;
	s2 =	simm.s32 @!p0 $0x1C01  }
0x203: {  	[timem:s3], [sflag:s2] =	dma.local @!p0 [hbm:s0], s1  }
0x204: {  	s0 =	simm.s32 @!p0 $0x1  }
0x205: {  	_ =	swait.ge @!p0 [sflag:s0], s1  }
0x206: {  	s1 =	ssub.s32 @!p0 $0x0, s1;
	[sflag:s0] =	ssyncset.done @!p0 $0x0  }
0x207: {  	[sflag:s0] =	ssyncadd.s32 @!p0 s1  }
0x208: {  	[bflag:$0x3] =	sbarrier.arrive $0xFFFF  }
0x209: {  	_ =	shalt  }

</sc_bundles>
